<compile_context>
chip_gen: v7x
topology: tpu7x:2x2x1
jax: 0.10.2.dev20260603
libtpu: 0.0.44.dev20260713+nightly
codegen_flags: <defaults>
</compile_context>

<pallas_src>
import functools

import jax
import jax.numpy as jnp
from jax import lax
from jax.experimental import pallas as pl
from jax.experimental.pallas import tpu as pltpu
from jax.experimental.pallas import tpu_sc as plsc

B = 16384
D = 64
NC = 2
NS = 16
NW = NC * NS
BPW = B // NW
CHUNK = 128
NCHUNK = BPW // CHUNK


def _body(u_idx_hbm, i_idx_hbm, user_emb_hbm, ub_hbm, item_emb_hbm, ib_hbm,
          out_hbm,
          u_idx_v, i_idx_v, u_rows, i_rows, ub_v, ib_v, p_v, out_v, sem):
    wid = lax.axis_index("s") * NC + lax.axis_index("c")
    base = wid * BPW

    for j in range(NCHUNK):
        pltpu.sync_copy(u_idx_hbm.at[pl.ds(base + j * CHUNK, CHUNK)], u_idx_v.at[j])
        pltpu.sync_copy(i_idx_hbm.at[pl.ds(base + j * CHUNK, CHUNK)], i_idx_v.at[j])

    copies = []
    for j in range(NCHUNK):
        sl = pl.ds(j * CHUNK, CHUNK)
        copies.append(pltpu.async_copy(user_emb_hbm.at[u_idx_v.at[j]], u_rows.at[sl], sem))
        copies.append(pltpu.async_copy(item_emb_hbm.at[i_idx_v.at[j]], i_rows.at[sl], sem))
        copies.append(pltpu.async_copy(ub_hbm.at[u_idx_v.at[j]], ub_v.at[sl], sem))
        copies.append(pltpu.async_copy(ib_hbm.at[i_idx_v.at[j]], ib_v.at[sl], sem))
    for c in copies:
        c.wait()

    def row(r, _):
        p = u_rows[r, pl.ds(0, 16)] * i_rows[r, pl.ds(0, 16)]
        for c0 in range(16, D, 16):
            p = p + u_rows[r, pl.ds(c0, 16)] * i_rows[r, pl.ds(c0, 16)]
        p_v[pl.ds(r * 16, 16)] = p
        return 0

    lax.fori_loop(0, BPW, row, 0)

    lanes = lax.iota(jnp.int32, 16)

    def group(g, _):
        sl = pl.ds(g * 16, 16)
        base_idx = (g * 16 + lanes) * 16
        x = plsc.load_gather(p_v, [base_idx])
        for c in range(1, 16):
            x = x + plsc.load_gather(p_v, [base_idx + c])
        x = x + ub_v[sl] + ib_v[sl]
        out_v[sl] = 1.0 / (1.0 + jnp.exp(-x))
        return 0

    lax.fori_loop(0, BPW // 16, group, 0)

    pltpu.sync_copy(out_v, out_hbm.at[pl.ds(base, BPW)])


@functools.partial(jax.jit, static_argnames=())
def _run(u_idx, i_idx, user_emb, ub, item_emb, ib):
    mesh = plsc.VectorSubcoreMesh(core_axis_name="c", subcore_axis_name="s",
                                  num_cores=NC, num_subcores=NS)
    f = pl.kernel(
        _body,
        out_type=jax.ShapeDtypeStruct((B,), jnp.float32),
        mesh=mesh,
        compiler_params=pltpu.CompilerParams(needs_layout_passes=False,
                                             use_tc_tiling_on_sc=False),
        scratch_types=[
            pltpu.VMEM((NCHUNK, CHUNK), jnp.int32),
            pltpu.VMEM((NCHUNK, CHUNK), jnp.int32),
            pltpu.VMEM((BPW, D), jnp.float32),
            pltpu.VMEM((BPW, D), jnp.float32),
            pltpu.VMEM((BPW,), jnp.float32),
            pltpu.VMEM((BPW,), jnp.float32),
            pltpu.VMEM((BPW * 16,), jnp.float32),
            pltpu.VMEM((BPW,), jnp.float32),
            pltpu.SemaphoreType.DMA,
        ],
    )
    return f(u_idx, i_idx, user_emb, ub, item_emb, ib)


def kernel(inputs, user_embedding, user_bias, item_embedding, item_bias):
    u_idx = inputs[:, 0]
    i_idx = inputs[:, 1]
    out = _run(u_idx, i_idx, user_embedding, user_bias[:, 0],
               item_embedding, item_bias[:, 0])
    return out[:, None]

# --- scband reference (transcript-rebuilt; emitter-appended) ---
"""Pipeline reference for scband-recommender-net-84086869721160 (READ-ONLY COPY).

The authoritative reference and input builder live on the scoring server;
editing this copy changes nothing except your own understanding.
"""

import jax, jax.numpy as jnp
import numpy as np

NUM_USERS = 1000000
NUM_ITEMS = 1000000
EMBED_DIM = 64
BATCH = 16384

def setup_inputs(seed: int = 0) -> dict:
    key = jax.random.key(seed)
    k_idx, k_ue, k_ub, k_ie, k_ib = jax.random.split(key, 5)
    inputs = jax.random.randint(k_idx, (BATCH, 2), 0, NUM_USERS, dtype=jnp.int64 if jax.config.jax_enable_x64 else jnp.int32).astype(jnp.int32)
    # he_normal init for embeddings: stddev = sqrt(2 / fan_in), fan_in = input_dim for Embedding per keras he_normal on shape (input_dim, output_dim)
    std = np.sqrt(2.0 / NUM_USERS)
    user_embedding = jax.random.normal(k_ue, (NUM_USERS, EMBED_DIM), dtype=jnp.float32) * std
    item_embedding = jax.random.normal(k_ie, (NUM_ITEMS, EMBED_DIM), dtype=jnp.float32) * std
    # bias embeddings default init (uniform small); keras default is 'uniform' [-0.05, 0.05]
    user_bias = jax.random.uniform(k_ub, (NUM_USERS, 1), dtype=jnp.float32, minval=-0.05, maxval=0.05)
    item_bias = jax.random.uniform(k_ib, (NUM_ITEMS, 1), dtype=jnp.float32, minval=-0.05, maxval=0.05)
    return {
        "inputs": inputs,
        "user_embedding": user_embedding,
        "user_bias": user_bias,
        "item_embedding": item_embedding,
        "item_bias": item_bias,
    }

def reference(inputs, user_embedding, user_bias, item_embedding, item_bias):
    user_idx = inputs[:, 0]
    item_idx = inputs[:, 1]
    user_vector = jnp.take(user_embedding, user_idx, axis=0)            # [B, D]
    u_bias = jnp.take(user_bias, user_idx, axis=0)                      # [B, 1]
    item_vector = jnp.take(item_embedding, item_idx, axis=0)            # [B, D]
    i_bias = jnp.take(item_bias, item_idx, axis=0)                      # [B, 1]
    dot_user_item = jnp.sum(user_vector * item_vector, axis=1, keepdims=True)  # [B, 1]
    x = dot_user_item + u_bias + i_bias
    return jax.nn.sigmoid(x)

if __name__ == "__main__":
    import jax
    _d = setup_inputs()
    print(jax.jit(kernel)(*tuple(_d.values())))

</pallas_src>

<mosaic_0001>
#map = affine_map<(d0, d1) -> (0)>
#map1 = affine_map<(d0, d1) -> (0, 0)>
module attributes {stable_mosaic.version = 14 : i64} {
  func.func @_body(%arg0: i32, %arg1: i32, %arg2: memref<16384xi32, #tpu.memory_space<hbm>>, %arg3: memref<16384xi32, #tpu.memory_space<hbm>>, %arg4: memref<1000000x64xf32, #tpu.memory_space<hbm>>, %arg5: memref<1000000xf32, #tpu.memory_space<hbm>>, %arg6: memref<1000000x64xf32, #tpu.memory_space<hbm>>, %arg7: memref<1000000xf32, #tpu.memory_space<hbm>>, %arg8: memref<16384xf32, #tpu.memory_space<hbm>>, %arg9: memref<4x128xi32, #tpu.memory_space<vmem>>, %arg10: memref<4x128xi32, #tpu.memory_space<vmem>>, %arg11: memref<512x64xf32, #tpu.memory_space<vmem>>, %arg12: memref<512x64xf32, #tpu.memory_space<vmem>>, %arg13: memref<512xf32, #tpu.memory_space<vmem>>, %arg14: memref<512xf32, #tpu.memory_space<vmem>>, %arg15: memref<8192xf32, #tpu.memory_space<vmem>>, %arg16: memref<512xf32, #tpu.memory_space<vmem>>, %arg17: memref<!tpu.dma_semaphore, #tpu.memory_space<semaphore_mem>>) attributes {dimension_semantics = [#tpu.dimension_semantics<core_parallel>, #tpu.dimension_semantics<subcore_parallel>], iteration_bounds = array<i64: 2, 16>, scalar_prefetch = 0 : i64, scratch_operands = 9 : i64, tpu.core_type = #tpu.core_type<sc_vector_subcore>, window_params = [{transform_indices = #map}, {transform_indices = #map}, {transform_indices = #map1}, {transform_indices = #map}, {transform_indices = #map1}, {transform_indices = #map}, {transform_indices = #map}]} {
    %mul3A = arith.constant 2 : i32
    %mul3A_0 = arith.muli %arg1, %mul3A : i32
    %add3A = arith.addi %mul3A_0, %arg0 : i32
    %mul3A_1 = arith.constant 512 : i32
    %mul3A_2 = arith.muli %add3A, %mul3A_1 : i32
    %add3A_3 = arith.constant 0 : i32
    %add3A_4 = arith.addi %mul3A_2, %add3A_3 : i32
    %run_scoped3A = arith.constant 0 : i32
    "tpu.region"() ({
      %run_scoped3A_325 = tpu.sem_alloc : memref<!tpu.dma_semaphore, #tpu.memory_space<semaphore_mem>>
      %dma_start3A_326 = arith.constant 0 : i32
      %dma_start3A_327 = tpu.memref_slice %arg9[%run_scoped3A, %dma_start3A_326] : memref<4x128xi32, #tpu.memory_space<vmem>> -> memref<1x128xi32, #tpu.memory_space<vmem>>
      %dma_start3A_328 = tpu.memref_squeeze %dma_start3A_327 : memref<1x128xi32, #tpu.memory_space<vmem>> -> memref<128xi32, #tpu.memory_space<vmem>>
      %dma_start3A_329 = tpu.memref_slice %arg2[%add3A_4] : memref<16384xi32, #tpu.memory_space<hbm>> -> memref<128xi32, #tpu.memory_space<hbm>>
      %dma_start3A_330 = arith.constant 0 : i32
      %dma_start3A_331 = tpu.memref_slice %arg9[%run_scoped3A, %dma_start3A_330] : memref<4x128xi32, #tpu.memory_space<vmem>> -> memref<1x128xi32, #tpu.memory_space<vmem>>
      %dma_start3A_332 = tpu.memref_squeeze %dma_start3A_331 : memref<1x128xi32, #tpu.memory_space<vmem>> -> memref<128xi32, #tpu.memory_space<vmem>>
      %dma_start3A_333 = tpu.memref_slice %arg2[%add3A_4] : memref<16384xi32, #tpu.memory_space<hbm>> -> memref<128xi32, #tpu.memory_space<hbm>>
      tpu.enqueue_dma source(%dma_start3A_333 : memref<128xi32, #tpu.memory_space<hbm>>) target(%dma_start3A_332 : memref<128xi32, #tpu.memory_space<vmem>>) target_semaphore(%run_scoped3A_325 : memref<!tpu.dma_semaphore, #tpu.memory_space<semaphore_mem>>)
      %dma_wait3A_334 = arith.constant 0 : i32
      %dma_wait3A_335 = tpu.memref_slice %arg9[%run_scoped3A, %dma_wait3A_334] : memref<4x128xi32, #tpu.memory_space<vmem>> -> memref<1x128xi32, #tpu.memory_space<vmem>>
      %dma_wait3A_336 = tpu.memref_squeeze %dma_wait3A_335 : memref<1x128xi32, #tpu.memory_space<vmem>> -> memref<128xi32, #tpu.memory_space<vmem>>
      %dma_wait3A_337 = tpu.memref_slice %arg2[%add3A_4] : memref<16384xi32, #tpu.memory_space<hbm>> -> memref<128xi32, #tpu.memory_space<hbm>>
      %dma_wait3A_338 = arith.constant 0 : i32
      %dma_wait3A_339 = tpu.memref_slice %arg9[%run_scoped3A, %dma_wait3A_338] : memref<4x128xi32, #tpu.memory_space<vmem>> -> memref<1x128xi32, #tpu.memory_space<vmem>>
      %dma_wait3A_340 = tpu.memref_squeeze %dma_wait3A_339 : memref<1x128xi32, #tpu.memory_space<vmem>> -> memref<128xi32, #tpu.memory_space<vmem>>
      %dma_wait3A_341 = tpu.memref_slice %arg2[%add3A_4] : memref<16384xi32, #tpu.memory_space<hbm>> -> memref<128xi32, #tpu.memory_space<hbm>>
      tpu.wait_dma2 semaphore(%run_scoped3A_325 : memref<!tpu.dma_semaphore, #tpu.memory_space<semaphore_mem>>) src(%dma_wait3A_341 : memref<128xi32, #tpu.memory_space<hbm>>) dst(%dma_wait3A_340 : memref<128xi32, #tpu.memory_space<vmem>>)
      tpu.yield
    }) : () -> ()
    %add3A_5 = arith.constant 0 : i32
    %add3A_6 = arith.addi %mul3A_2, %add3A_5 : i32
    %run_scoped3A_7 = arith.constant 0 : i32
    "tpu.region"() ({
      %run_scoped3A_325 = tpu.sem_alloc : memref<!tpu.dma_semaphore, #tpu.memory_space<semaphore_mem>>
      %dma_start3A_326 = arith.constant 0 : i32
      %dma_start3A_327 = tpu.memref_slice %arg10[%run_scoped3A_7, %dma_start3A_326] : memref<4x128xi32, #tpu.memory_space<vmem>> -> memref<1x128xi32, #tpu.memory_space<vmem>>
      %dma_start3A_328 = tpu.memref_squeeze %dma_start3A_327 : memref<1x128xi32, #tpu.memory_space<vmem>> -> memref<128xi32, #tpu.memory_space<vmem>>
      %dma_start3A_329 = tpu.memref_slice %arg3[%add3A_6] : memref<16384xi32, #tpu.memory_space<hbm>> -> memref<128xi32, #tpu.memory_space<hbm>>
      %dma_start3A_330 = arith.constant 0 : i32
      %dma_start3A_331 = tpu.memref_slice %arg10[%run_scoped3A_7, %dma_start3A_330] : memref<4x128xi32, #tpu.memory_space<vmem>> -> memref<1x128xi32, #tpu.memory_space<vmem>>
      %dma_start3A_332 = tpu.memref_squeeze %dma_start3A_331 : memref<1x128xi32, #tpu.memory_space<vmem>> -> memref<128xi32, #tpu.memory_space<vmem>>
      %dma_start3A_333 = tpu.memref_slice %arg3[%add3A_6] : memref<16384xi32, #tpu.memory_space<hbm>> -> memref<128xi32, #tpu.memory_space<hbm>>
      tpu.enqueue_dma source(%dma_start3A_333 : memref<128xi32, #tpu.memory_space<hbm>>) target(%dma_start3A_332 : memref<128xi32, #tpu.memory_space<vmem>>) target_semaphore(%run_scoped3A_325 : memref<!tpu.dma_semaphore, #tpu.memory_space<semaphore_mem>>)
      %dma_wait3A_334 = arith.constant 0 : i32
      %dma_wait3A_335 = tpu.memref_slice %arg10[%run_scoped3A_7, %dma_wait3A_334] : memref<4x128xi32, #tpu.memory_space<vmem>> -> memref<1x128xi32, #tpu.memory_space<vmem>>
      %dma_wait3A_336 = tpu.memref_squeeze %dma_wait3A_335 : memref<1x128xi32, #tpu.memory_space<vmem>> -> memref<128xi32, #tpu.memory_space<vmem>>
      %dma_wait3A_337 = tpu.memref_slice %arg3[%add3A_6] : memref<16384xi32, #tpu.memory_space<hbm>> -> memref<128xi32, #tpu.memory_space<hbm>>
      %dma_wait3A_338 = arith.constant 0 : i32
      %dma_wait3A_339 = tpu.memref_slice %arg10[%run_scoped3A_7, %dma_wait3A_338] : memref<4x128xi32, #tpu.memory_space<vmem>> -> memref<1x128xi32, #tpu.memory_space<vmem>>
      %dma_wait3A_340 = tpu.memref_squeeze %dma_wait3A_339 : memref<1x128xi32, #tpu.memory_space<vmem>> -> memref<128xi32, #tpu.memory_space<vmem>>
      %dma_wait3A_341 = tpu.memref_slice %arg3[%add3A_6] : memref<16384xi32, #tpu.memory_space<hbm>> -> memref<128xi32, #tpu.memory_space<hbm>>
      tpu.wait_dma2 semaphore(%run_scoped3A_325 : memref<!tpu.dma_semaphore, #tpu.memory_space<semaphore_mem>>) src(%dma_wait3A_341 : memref<128xi32, #tpu.memory_space<hbm>>) dst(%dma_wait3A_340 : memref<128xi32, #tpu.memory_space<vmem>>)
      tpu.yield
    }) : () -> ()
    %add3A_8 = arith.constant 128 : i32
    %add3A_9 = arith.addi %mul3A_2, %add3A_8 : i32
    %run_scoped3A_10 = arith.constant 1 : i32
    "tpu.region"() ({
      %run_scoped3A_325 = tpu.sem_alloc : memref<!tpu.dma_semaphore, #tpu.memory_space<semaphore_mem>>
      %dma_start3A_326 = arith.constant 0 : i32
      %dma_start3A_327 = tpu.memref_slice %arg9[%run_scoped3A_10, %dma_start3A_326] : memref<4x128xi32, #tpu.memory_space<vmem>> -> memref<1x128xi32, #tpu.memory_space<vmem>>
      %dma_start3A_328 = tpu.memref_squeeze %dma_start3A_327 : memref<1x128xi32, #tpu.memory_space<vmem>> -> memref<128xi32, #tpu.memory_space<vmem>>
      %dma_start3A_329 = tpu.memref_slice %arg2[%add3A_9] : memref<16384xi32, #tpu.memory_space<hbm>> -> memref<128xi32, #tpu.memory_space<hbm>>
      %dma_start3A_330 = arith.constant 0 : i32
      %dma_start3A_331 = tpu.memref_slice %arg9[%run_scoped3A_10, %dma_start3A_330] : memref<4x128xi32, #tpu.memory_space<vmem>> -> memref<1x128xi32, #tpu.memory_space<vmem>>
      %dma_start3A_332 = tpu.memref_squeeze %dma_start3A_331 : memref<1x128xi32, #tpu.memory_space<vmem>> -> memref<128xi32, #tpu.memory_space<vmem>>
      %dma_start3A_333 = tpu.memref_slice %arg2[%add3A_9] : memref<16384xi32, #tpu.memory_space<hbm>> -> memref<128xi32, #tpu.memory_space<hbm>>
      tpu.enqueue_dma source(%dma_start3A_333 : memref<128xi32, #tpu.memory_space<hbm>>) target(%dma_start3A_332 : memref<128xi32, #tpu.memory_space<vmem>>) target_semaphore(%run_scoped3A_325 : memref<!tpu.dma_semaphore, #tpu.memory_space<semaphore_mem>>)
      %dma_wait3A_334 = arith.constant 0 : i32
      %dma_wait3A_335 = tpu.memref_slice %arg9[%run_scoped3A_10, %dma_wait3A_334] : memref<4x128xi32, #tpu.memory_space<vmem>> -> memref<1x128xi32, #tpu.memory_space<vmem>>
      %dma_wait3A_336 = tpu.memref_squeeze %dma_wait3A_335 : memref<1x128xi32, #tpu.memory_space<vmem>> -> memref<128xi32, #tpu.memory_space<vmem>>
      %dma_wait3A_337 = tpu.memref_slice %arg2[%add3A_9] : memref<16384xi32, #tpu.memory_space<hbm>> -> memref<128xi32, #tpu.memory_space<hbm>>
      %dma_wait3A_338 = arith.constant 0 : i32
      %dma_wait3A_339 = tpu.memref_slice %arg9[%run_scoped3A_10, %dma_wait3A_338] : memref<4x128xi32, #tpu.memory_space<vmem>> -> memref<1x128xi32, #tpu.memory_space<vmem>>
      %dma_wait3A_340 = tpu.memref_squeeze %dma_wait3A_339 : memref<1x128xi32, #tpu.memory_space<vmem>> -> memref<128xi32, #tpu.memory_space<vmem>>
      %dma_wait3A_341 = tpu.memref_slice %arg2[%add3A_9] : memref<16384xi32, #tpu.memory_space<hbm>> -> memref<128xi32, #tpu.memory_space<hbm>>
      tpu.wait_dma2 semaphore(%run_scoped3A_325 : memref<!tpu.dma_semaphore, #tpu.memory_space<semaphore_mem>>) src(%dma_wait3A_341 : memref<128xi32, #tpu.memory_space<hbm>>) dst(%dma_wait3A_340 : memref<128xi32, #tpu.memory_space<vmem>>)
      tpu.yield
    }) : () -> ()
    %add3A_11 = arith.constant 128 : i32
    %add3A_12 = arith.addi %mul3A_2, %add3A_11 : i32
    %run_scoped3A_13 = arith.constant 1 : i32
    "tpu.region"() ({
      %run_scoped3A_325 = tpu.sem_alloc : memref<!tpu.dma_semaphore, #tpu.memory_space<semaphore_mem>>
      %dma_start3A_326 = arith.constant 0 : i32
      %dma_start3A_327 = tpu.memref_slice %arg10[%run_scoped3A_13, %dma_start3A_326] : memref<4x128xi32, #tpu.memory_space<vmem>> -> memref<1x128xi32, #tpu.memory_space<vmem>>
      %dma_start3A_328 = tpu.memref_squeeze %dma_start3A_327 : memref<1x128xi32, #tpu.memory_space<vmem>> -> memref<128xi32, #tpu.memory_space<vmem>>
      %dma_start3A_329 = tpu.memref_slice %arg3[%add3A_12] : memref<16384xi32, #tpu.memory_space<hbm>> -> memref<128xi32, #tpu.memory_space<hbm>>
      %dma_start3A_330 = arith.constant 0 : i32
      %dma_start3A_331 = tpu.memref_slice %arg10[%run_scoped3A_13, %dma_start3A_330] : memref<4x128xi32, #tpu.memory_space<vmem>> -> memref<1x128xi32, #tpu.memory_space<vmem>>
      %dma_start3A_332 = tpu.memref_squeeze %dma_start3A_331 : memref<1x128xi32, #tpu.memory_space<vmem>> -> memref<128xi32, #tpu.memory_space<vmem>>
      %dma_start3A_333 = tpu.memref_slice %arg3[%add3A_12] : memref<16384xi32, #tpu.memory_space<hbm>> -> memref<128xi32, #tpu.memory_space<hbm>>
      tpu.enqueue_dma source(%dma_start3A_333 : memref<128xi32, #tpu.memory_space<hbm>>) target(%dma_start3A_332 : memref<128xi32, #tpu.memory_space<vmem>>) target_semaphore(%run_scoped3A_325 : memref<!tpu.dma_semaphore, #tpu.memory_space<semaphore_mem>>)
      %dma_wait3A_334 = arith.constant 0 : i32
      %dma_wait3A_335 = tpu.memref_slice %arg10[%run_scoped3A_13, %dma_wait3A_334] : memref<4x128xi32, #tpu.memory_space<vmem>> -> memref<1x128xi32, #tpu.memory_space<vmem>>
      %dma_wait3A_336 = tpu.memref_squeeze %dma_wait3A_335 : memref<1x128xi32, #tpu.memory_space<vmem>> -> memref<128xi32, #tpu.memory_space<vmem>>
      %dma_wait3A_337 = tpu.memref_slice %arg3[%add3A_12] : memref<16384xi32, #tpu.memory_space<hbm>> -> memref<128xi32, #tpu.memory_space<hbm>>
      %dma_wait3A_338 = arith.constant 0 : i32
      %dma_wait3A_339 = tpu.memref_slice %arg10[%run_scoped3A_13, %dma_wait3A_338] : memref<4x128xi32, #tpu.memory_space<vmem>> -> memref<1x128xi32, #tpu.memory_space<vmem>>
      %dma_wait3A_340 = tpu.memref_squeeze %dma_wait3A_339 : memref<1x128xi32, #tpu.memory_space<vmem>> -> memref<128xi32, #tpu.memory_space<vmem>>
      %dma_wait3A_341 = tpu.memref_slice %arg3[%add3A_12] : memref<16384xi32, #tpu.memory_space<hbm>> -> memref<128xi32, #tpu.memory_space<hbm>>
      tpu.wait_dma2 semaphore(%run_scoped3A_325 : memref<!tpu.dma_semaphore, #tpu.memory_space<semaphore_mem>>) src(%dma_wait3A_341 : memref<128xi32, #tpu.memory_space<hbm>>) dst(%dma_wait3A_340 : memref<128xi32, #tpu.memory_space<vmem>>)
      tpu.yield
    }) : () -> ()
    %add3A_14 = arith.constant 256 : i32
    %add3A_15 = arith.addi %mul3A_2, %add3A_14 : i32
    %run_scoped3A_16 = arith.constant 2 : i32
    "tpu.region"() ({
      %run_scoped3A_325 = tpu.sem_alloc : memref<!tpu.dma_semaphore, #tpu.memory_space<semaphore_mem>>
      %dma_start3A_326 = arith.constant 0 : i32
      %dma_start3A_327 = tpu.memref_slice %arg9[%run_scoped3A_16, %dma_start3A_326] : memref<4x128xi32, #tpu.memory_space<vmem>> -> memref<1x128xi32, #tpu.memory_space<vmem>>
      %dma_start3A_328 = tpu.memref_squeeze %dma_start3A_327 : memref<1x128xi32, #tpu.memory_space<vmem>> -> memref<128xi32, #tpu.memory_space<vmem>>
      %dma_start3A_329 = tpu.memref_slice %arg2[%add3A_15] : memref<16384xi32, #tpu.memory_space<hbm>> -> memref<128xi32, #tpu.memory_space<hbm>>
      %dma_start3A_330 = arith.constant 0 : i32
      %dma_start3A_331 = tpu.memref_slice %arg9[%run_scoped3A_16, %dma_start3A_330] : memref<4x128xi32, #tpu.memory_space<vmem>> -> memref<1x128xi32, #tpu.memory_space<vmem>>
      %dma_start3A_332 = tpu.memref_squeeze %dma_start3A_331 : memref<1x128xi32, #tpu.memory_space<vmem>> -> memref<128xi32, #tpu.memory_space<vmem>>
      %dma_start3A_333 = tpu.memref_slice %arg2[%add3A_15] : memref<16384xi32, #tpu.memory_space<hbm>> -> memref<128xi32, #tpu.memory_space<hbm>>
      tpu.enqueue_dma source(%dma_start3A_333 : memref<128xi32, #tpu.memory_space<hbm>>) target(%dma_start3A_332 : memref<128xi32, #tpu.memory_space<vmem>>) target_semaphore(%run_scoped3A_325 : memref<!tpu.dma_semaphore, #tpu.memory_space<semaphore_mem>>)
      %dma_wait3A_334 = arith.constant 0 : i32
      %dma_wait3A_335 = tpu.memref_slice %arg9[%run_scoped3A_16, %dma_wait3A_334] : memref<4x128xi32, #tpu.memory_space<vmem>> -> memref<1x128xi32, #tpu.memory_space<vmem>>
      %dma_wait3A_336 = tpu.memref_squeeze %dma_wait3A_335 : memref<1x128xi32, #tpu.memory_space<vmem>> -> memref<128xi32, #tpu.memory_space<vmem>>
      %dma_wait3A_337 = tpu.memref_slice %arg2[%add3A_15] : memref<16384xi32, #tpu.memory_space<hbm>> -> memref<128xi32, #tpu.memory_space<hbm>>
      %dma_wait3A_338 = arith.constant 0 : i32
      %dma_wait3A_339 = tpu.memref_slice %arg9[%run_scoped3A_16, %dma_wait3A_338] : memref<4x128xi32, #tpu.memory_space<vmem>> -> memref<1x128xi32, #tpu.memory_space<vmem>>
      %dma_wait3A_340 = tpu.memref_squeeze %dma_wait3A_339 : memref<1x128xi32, #tpu.memory_space<vmem>> -> memref<128xi32, #tpu.memory_space<vmem>>
      %dma_wait3A_341 = tpu.memref_slice %arg2[%add3A_15] : memref<16384xi32, #tpu.memory_space<hbm>> -> memref<128xi32, #tpu.memory_space<hbm>>
      tpu.wait_dma2 semaphore(%run_scoped3A_325 : memref<!tpu.dma_semaphore, #tpu.memory_space<semaphore_mem>>) src(%dma_wait3A_341 : memref<128xi32, #tpu.memory_space<hbm>>) dst(%dma_wait3A_340 : memref<128xi32, #tpu.memory_space<vmem>>)
      tpu.yield
    }) : () -> ()
    %add3A_17 = arith.constant 256 : i32
    %add3A_18 = arith.addi %mul3A_2, %add3A_17 : i32
    %run_scoped3A_19 = arith.constant 2 : i32
    "tpu.region"() ({
      %run_scoped3A_325 = tpu.sem_alloc : memref<!tpu.dma_semaphore, #tpu.memory_space<semaphore_mem>>
      %dma_start3A_326 = arith.constant 0 : i32
      %dma_start3A_327 = tpu.memref_slice %arg10[%run_scoped3A_19, %dma_start3A_326] : memref<4x128xi32, #tpu.memory_space<vmem>> -> memref<1x128xi32, #tpu.memory_space<vmem>>
      %dma_start3A_328 = tpu.memref_squeeze %dma_start3A_327 : memref<1x128xi32, #tpu.memory_space<vmem>> -> memref<128xi32, #tpu.memory_space<vmem>>
      %dma_start3A_329 = tpu.memref_slice %arg3[%add3A_18] : memref<16384xi32, #tpu.memory_space<hbm>> -> memref<128xi32, #tpu.memory_space<hbm>>
      %dma_start3A_330 = arith.constant 0 : i32
      %dma_start3A_331 = tpu.memref_slice %arg10[%run_scoped3A_19, %dma_start3A_330] : memref<4x128xi32, #tpu.memory_space<vmem>> -> memref<1x128xi32, #tpu.memory_space<vmem>>
      %dma_start3A_332 = tpu.memref_squeeze %dma_start3A_331 : memref<1x128xi32, #tpu.memory_space<vmem>> -> memref<128xi32, #tpu.memory_space<vmem>>
      %dma_start3A_333 = tpu.memref_slice %arg3[%add3A_18] : memref<16384xi32, #tpu.memory_space<hbm>> -> memref<128xi32, #tpu.memory_space<hbm>>
      tpu.enqueue_dma source(%dma_start3A_333 : memref<128xi32, #tpu.memory_space<hbm>>) target(%dma_start3A_332 : memref<128xi32, #tpu.memory_space<vmem>>) target_semaphore(%run_scoped3A_325 : memref<!tpu.dma_semaphore, #tpu.memory_space<semaphore_mem>>)
      %dma_wait3A_334 = arith.constant 0 : i32
      %dma_wait3A_335 = tpu.memref_slice %arg10[%run_scoped3A_19, %dma_wait3A_334] : memref<4x128xi32, #tpu.memory_space<vmem>> -> memref<1x128xi32, #tpu.memory_space<vmem>>
      %dma_wait3A_336 = tpu.memref_squeeze %dma_wait3A_335 : memref<1x128xi32, #tpu.memory_space<vmem>> -> memref<128xi32, #tpu.memory_space<vmem>>
      %dma_wait3A_337 = tpu.memref_slice %arg3[%add3A_18] : memref<16384xi32, #tpu.memory_space<hbm>> -> memref<128xi32, #tpu.memory_space<hbm>>
      %dma_wait3A_338 = arith.constant 0 : i32
      %dma_wait3A_339 = tpu.memref_slice %arg10[%run_scoped3A_19, %dma_wait3A_338] : memref<4x128xi32, #tpu.memory_space<vmem>> -> memref<1x128xi32, #tpu.memory_space<vmem>>
      %dma_wait3A_340 = tpu.memref_squeeze %dma_wait3A_339 : memref<1x128xi32, #tpu.memory_space<vmem>> -> memref<128xi32, #tpu.memory_space<vmem>>
      %dma_wait3A_341 = tpu.memref_slice %arg3[%add3A_18] : memref<16384xi32, #tpu.memory_space<hbm>> -> memref<128xi32, #tpu.memory_space<hbm>>
      tpu.wait_dma2 semaphore(%run_scoped3A_325 : memref<!tpu.dma_semaphore, #tpu.memory_space<semaphore_mem>>) src(%dma_wait3A_341 : memref<128xi32, #tpu.memory_space<hbm>>) dst(%dma_wait3A_340 : memref<128xi32, #tpu.memory_space<vmem>>)
      tpu.yield
    }) : () -> ()
    %add3A_20 = arith.constant 384 : i32
    %add3A_21 = arith.addi %mul3A_2, %add3A_20 : i32
    %run_scoped3A_22 = arith.constant 3 : i32
    "tpu.region"() ({
      %run_scoped3A_325 = tpu.sem_alloc : memref<!tpu.dma_semaphore, #tpu.memory_space<semaphore_mem>>
      %dma_start3A_326 = arith.constant 0 : i32
      %dma_start3A_327 = tpu.memref_slice %arg9[%run_scoped3A_22, %dma_start3A_326] : memref<4x128xi32, #tpu.memory_space<vmem>> -> memref<1x128xi32, #tpu.memory_space<vmem>>
      %dma_start3A_328 = tpu.memref_squeeze %dma_start3A_327 : memref<1x128xi32, #tpu.memory_space<vmem>> -> memref<128xi32, #tpu.memory_space<vmem>>
      %dma_start3A_329 = tpu.memref_slice %arg2[%add3A_21] : memref<16384xi32, #tpu.memory_space<hbm>> -> memref<128xi32, #tpu.memory_space<hbm>>
      %dma_start3A_330 = arith.constant 0 : i32
      %dma_start3A_331 = tpu.memref_slice %arg9[%run_scoped3A_22, %dma_start3A_330] : memref<4x128xi32, #tpu.memory_space<vmem>> -> memref<1x128xi32, #tpu.memory_space<vmem>>
      %dma_start3A_332 = tpu.memref_squeeze %dma_start3A_331 : memref<1x128xi32, #tpu.memory_space<vmem>> -> memref<128xi32, #tpu.memory_space<vmem>>
      %dma_start3A_333 = tpu.memref_slice %arg2[%add3A_21] : memref<16384xi32, #tpu.memory_space<hbm>> -> memref<128xi32, #tpu.memory_space<hbm>>
      tpu.enqueue_dma source(%dma_start3A_333 : memref<128xi32, #tpu.memory_space<hbm>>) target(%dma_start3A_332 : memref<128xi32, #tpu.memory_space<vmem>>) target_semaphore(%run_scoped3A_325 : memref<!tpu.dma_semaphore, #tpu.memory_space<semaphore_mem>>)
      %dma_wait3A_334 = arith.constant 0 : i32
      %dma_wait3A_335 = tpu.memref_slice %arg9[%run_scoped3A_22, %dma_wait3A_334] : memref<4x128xi32, #tpu.memory_space<vmem>> -> memref<1x128xi32, #tpu.memory_space<vmem>>
      %dma_wait3A_336 = tpu.memref_squeeze %dma_wait3A_335 : memref<1x128xi32, #tpu.memory_space<vmem>> -> memref<128xi32, #tpu.memory_space<vmem>>
      %dma_wait3A_337 = tpu.memref_slice %arg2[%add3A_21] : memref<16384xi32, #tpu.memory_space<hbm>> -> memref<128xi32, #tpu.memory_space<hbm>>
      %dma_wait3A_338 = arith.constant 0 : i32
      %dma_wait3A_339 = tpu.memref_slice %arg9[%run_scoped3A_22, %dma_wait3A_338] : memref<4x128xi32, #tpu.memory_space<vmem>> -> memref<1x128xi32, #tpu.memory_space<vmem>>
      %dma_wait3A_340 = tpu.memref_squeeze %dma_wait3A_339 : memref<1x128xi32, #tpu.memory_space<vmem>> -> memref<128xi32, #tpu.memory_space<vmem>>
      %dma_wait3A_341 = tpu.memref_slice %arg2[%add3A_21] : memref<16384xi32, #tpu.memory_space<hbm>> -> memref<128xi32, #tpu.memory_space<hbm>>
      tpu.wait_dma2 semaphore(%run_scoped3A_325 : memref<!tpu.dma_semaphore, #tpu.memory_space<semaphore_mem>>) src(%dma_wait3A_341 : memref<128xi32, #tpu.memory_space<hbm>>) dst(%dma_wait3A_340 : memref<128xi32, #tpu.memory_space<vmem>>)
      tpu.yield
    }) : () -> ()
    %add3A_23 = arith.constant 384 : i32
    %add3A_24 = arith.addi %mul3A_2, %add3A_23 : i32
    %run_scoped3A_25 = arith.constant 3 : i32
    "tpu.region"() ({
      %run_scoped3A_325 = tpu.sem_alloc : memref<!tpu.dma_semaphore, #tpu.memory_space<semaphore_mem>>
      %dma_start3A_326 = arith.constant 0 : i32
      %dma_start3A_327 = tpu.memref_slice %arg10[%run_scoped3A_25, %dma_start3A_326] : memref<4x128xi32, #tpu.memory_space<vmem>> -> memref<1x128xi32, #tpu.memory_space<vmem>>
      %dma_start3A_328 = tpu.memref_squeeze %dma_start3A_327 : memref<1x128xi32, #tpu.memory_space<vmem>> -> memref<128xi32, #tpu.memory_space<vmem>>
      %dma_start3A_329 = tpu.memref_slice %arg3[%add3A_24] : memref<16384xi32, #tpu.memory_space<hbm>> -> memref<128xi32, #tpu.memory_space<hbm>>
      %dma_start3A_330 = arith.constant 0 : i32
      %dma_start3A_331 = tpu.memref_slice %arg10[%run_scoped3A_25, %dma_start3A_330] : memref<4x128xi32, #tpu.memory_space<vmem>> -> memref<1x128xi32, #tpu.memory_space<vmem>>
      %dma_start3A_332 = tpu.memref_squeeze %dma_start3A_331 : memref<1x128xi32, #tpu.memory_space<vmem>> -> memref<128xi32, #tpu.memory_space<vmem>>
      %dma_start3A_333 = tpu.memref_slice %arg3[%add3A_24] : memref<16384xi32, #tpu.memory_space<hbm>> -> memref<128xi32, #tpu.memory_space<hbm>>
      tpu.enqueue_dma source(%dma_start3A_333 : memref<128xi32, #tpu.memory_space<hbm>>) target(%dma_start3A_332 : memref<128xi32, #tpu.memory_space<vmem>>) target_semaphore(%run_scoped3A_325 : memref<!tpu.dma_semaphore, #tpu.memory_space<semaphore_mem>>)
      %dma_wait3A_334 = arith.constant 0 : i32
      %dma_wait3A_335 = tpu.memref_slice %arg10[%run_scoped3A_25, %dma_wait3A_334] : memref<4x128xi32, #tpu.memory_space<vmem>> -> memref<1x128xi32, #tpu.memory_space<vmem>>
      %dma_wait3A_336 = tpu.memref_squeeze %dma_wait3A_335 : memref<1x128xi32, #tpu.memory_space<vmem>> -> memref<128xi32, #tpu.memory_space<vmem>>
      %dma_wait3A_337 = tpu.memref_slice %arg3[%add3A_24] : memref<16384xi32, #tpu.memory_space<hbm>> -> memref<128xi32, #tpu.memory_space<hbm>>
      %dma_wait3A_338 = arith.constant 0 : i32
      %dma_wait3A_339 = tpu.memref_slice %arg10[%run_scoped3A_25, %dma_wait3A_338] : memref<4x128xi32, #tpu.memory_space<vmem>> -> memref<1x128xi32, #tpu.memory_space<vmem>>
      %dma_wait3A_340 = tpu.memref_squeeze %dma_wait3A_339 : memref<1x128xi32, #tpu.memory_space<vmem>> -> memref<128xi32, #tpu.memory_space<vmem>>
      %dma_wait3A_341 = tpu.memref_slice %arg3[%add3A_24] : memref<16384xi32, #tpu.memory_space<hbm>> -> memref<128xi32, #tpu.memory_space<hbm>>
      tpu.wait_dma2 semaphore(%run_scoped3A_325 : memref<!tpu.dma_semaphore, #tpu.memory_space<semaphore_mem>>) src(%dma_wait3A_341 : memref<128xi32, #tpu.memory_space<hbm>>) dst(%dma_wait3A_340 : memref<128xi32, #tpu.memory_space<vmem>>)
      tpu.yield
    }) : () -> ()
    %dma_start3A = arith.constant 0 : i32
    %dma_start3A_26 = arith.constant 0 : i32
    %dma_start3A_27 = arith.constant 0 : i32
    %dma_start3A_28 = tpu.memref_slice %arg11[%dma_start3A_26, %dma_start3A_27] : memref<512x64xf32, #tpu.memory_space<vmem>> -> memref<128x64xf32, #tpu.memory_space<vmem>>
    %dma_start3A_29 = arith.constant 0 : i32
    %dma_start3A_30 = tpu.memref_slice %arg9[%dma_start3A, %dma_start3A_29] : memref<4x128xi32, #tpu.memory_space<vmem>> -> memref<1x128xi32, #tpu.memory_space<vmem>>
    %dma_start3A_31 = tpu.memref_squeeze %dma_start3A_30 : memref<1x128xi32, #tpu.memory_space<vmem>> -> memref<128xi32, #tpu.memory_space<vmem>>
    %dma_start3A_32 = arith.constant 0 : i32
    %dma_start3A_33 = arith.constant 0 : i32
    %dma_start3A_34 = tpu.memref_slice %arg4[%dma_start3A_32, %dma_start3A_33] : memref<1000000x64xf32, #tpu.memory_space<hbm>> -> memref<1000000x64xf32, #tpu.memory_space<hbm>>
    tpu.enqueue_indirect_dma source(%dma_start3A_34 : memref<1000000x64xf32, #tpu.memory_space<hbm>>) target(%dma_start3A_28 : memref<128x64xf32, #tpu.memory_space<vmem>>) offsets(%dma_start3A_31 : memref<128xi32, #tpu.memory_space<vmem>>) semaphore(%arg17 : memref<!tpu.dma_semaphore, #tpu.memory_space<semaphore_mem>>)
    %dma_start3A_35 = arith.constant 0 : i32
    %dma_start3A_36 = arith.constant 0 : i32
    %dma_start3A_37 = arith.constant 0 : i32
    %dma_start3A_38 = tpu.memref_slice %arg12[%dma_start3A_36, %dma_start3A_37] : memref<512x64xf32, #tpu.memory_space<vmem>> -> memref<128x64xf32, #tpu.memory_space<vmem>>
    %dma_start3A_39 = arith.constant 0 : i32
    %dma_start3A_40 = tpu.memref_slice %arg10[%dma_start3A_35, %dma_start3A_39] : memref<4x128xi32, #tpu.memory_space<vmem>> -> memref<1x128xi32, #tpu.memory_space<vmem>>
    %dma_start3A_41 = tpu.memref_squeeze %dma_start3A_40 : memref<1x128xi32, #tpu.memory_space<vmem>> -> memref<128xi32, #tpu.memory_space<vmem>>
    %dma_start3A_42 = arith.constant 0 : i32
    %dma_start3A_43 = arith.constant 0 : i32
    %dma_start3A_44 = tpu.memref_slice %arg6[%dma_start3A_42, %dma_start3A_43] : memref<1000000x64xf32, #tpu.memory_space<hbm>> -> memref<1000000x64xf32, #tpu.memory_space<hbm>>
    tpu.enqueue_indirect_dma source(%dma_start3A_44 : memref<1000000x64xf32, #tpu.memory_space<hbm>>) target(%dma_start3A_38 : memref<128x64xf32, #tpu.memory_space<vmem>>) offsets(%dma_start3A_41 : memref<128xi32, #tpu.memory_space<vmem>>) semaphore(%arg17 : memref<!tpu.dma_semaphore, #tpu.memory_space<semaphore_mem>>)
    %dma_start3A_45 = arith.constant 0 : i32
    %dma_start3A_46 = arith.constant 0 : i32
    %dma_start3A_47 = tpu.memref_slice %arg13[%dma_start3A_46] : memref<512xf32, #tpu.memory_space<vmem>> -> memref<128xf32, #tpu.memory_space<vmem>>
    %dma_start3A_48 = arith.constant 0 : i32
    %dma_start3A_49 = tpu.memref_slice %arg9[%dma_start3A_45, %dma_start3A_48] : memref<4x128xi32, #tpu.memory_space<vmem>> -> memref<1x128xi32, #tpu.memory_space<vmem>>
    %dma_start3A_50 = tpu.memref_squeeze %dma_start3A_49 : memref<1x128xi32, #tpu.memory_space<vmem>> -> memref<128xi32, #tpu.memory_space<vmem>>
    %dma_start3A_51 = arith.constant 0 : i32
    %dma_start3A_52 = tpu.memref_slice %arg5[%dma_start3A_51] : memref<1000000xf32, #tpu.memory_space<hbm>> -> memref<1000000xf32, #tpu.memory_space<hbm>>
    tpu.enqueue_indirect_dma source(%dma_start3A_52 : memref<1000000xf32, #tpu.memory_space<hbm>>) target(%dma_start3A_47 : memref<128xf32, #tpu.memory_space<vmem>>) offsets(%dma_start3A_50 : memref<128xi32, #tpu.memory_space<vmem>>) semaphore(%arg17 : memref<!tpu.dma_semaphore, #tpu.memory_space<semaphore_mem>>)
    %dma_start3A_53 = arith.constant 0 : i32
    %dma_start3A_54 = arith.constant 0 : i32
    %dma_start3A_55 = tpu.memref_slice %arg14[%dma_start3A_54] : memref<512xf32, #tpu.memory_space<vmem>> -> memref<128xf32, #tpu.memory_space<vmem>>
    %dma_start3A_56 = arith.constant 0 : i32
    %dma_start3A_57 = tpu.memref_slice %arg10[%dma_start3A_53, %dma_start3A_56] : memref<4x128xi32, #tpu.memory_space<vmem>> -> memref<1x128xi32, #tpu.memory_space<vmem>>
    %dma_start3A_58 = tpu.memref_squeeze %dma_start3A_57 : memref<1x128xi32, #tpu.memory_space<vmem>> -> memref<128xi32, #tpu.memory_space<vmem>>
    %dma_start3A_59 = arith.constant 0 : i32
    %dma_start3A_60 = tpu.memref_slice %arg7[%dma_start3A_59] : memref<1000000xf32, #tpu.memory_space<hbm>> -> memref<1000000xf32, #tpu.memory_space<hbm>>
    tpu.enqueue_indirect_dma source(%dma_start3A_60 : memref<1000000xf32, #tpu.memory_space<hbm>>) target(%dma_start3A_55 : memref<128xf32, #tpu.memory_space<vmem>>) offsets(%dma_start3A_58 : memref<128xi32, #tpu.memory_space<vmem>>) semaphore(%arg17 : memref<!tpu.dma_semaphore, #tpu.memory_space<semaphore_mem>>)
    %dma_start3A_61 = arith.constant 1 : i32
    %dma_start3A_62 = arith.constant 128 : i32
    %dma_start3A_63 = arith.constant 0 : i32
    %dma_start3A_64 = tpu.memref_slice %arg11[%dma_start3A_62, %dma_start3A_63] : memref<512x64xf32, #tpu.memory_space<vmem>> -> memref<128x64xf32, #tpu.memory_space<vmem>>
    %dma_start3A_65 = arith.constant 0 : i32
    %dma_start3A_66 = tpu.memref_slice %arg9[%dma_start3A_61, %dma_start3A_65] : memref<4x128xi32, #tpu.memory_space<vmem>> -> memref<1x128xi32, #tpu.memory_space<vmem>>
    %dma_start3A_67 = tpu.memref_squeeze %dma_start3A_66 : memref<1x128xi32, #tpu.memory_space<vmem>> -> memref<128xi32, #tpu.memory_space<vmem>>
    %dma_start3A_68 = arith.constant 0 : i32
    %dma_start3A_69 = arith.constant 0 : i32
    %dma_start3A_70 = tpu.memref_slice %arg4[%dma_start3A_68, %dma_start3A_69] : memref<1000000x64xf32, #tpu.memory_space<hbm>> -> memref<1000000x64xf32, #tpu.memory_space<hbm>>
    tpu.enqueue_indirect_dma source(%dma_start3A_70 : memref<1000000x64xf32, #tpu.memory_space<hbm>>) target(%dma_start3A_64 : memref<128x64xf32, #tpu.memory_space<vmem>>) offsets(%dma_start3A_67 : memref<128xi32, #tpu.memory_space<vmem>>) semaphore(%arg17 : memref<!tpu.dma_semaphore, #tpu.memory_space<semaphore_mem>>)
    %dma_start3A_71 = arith.constant 1 : i32
    %dma_start3A_72 = arith.constant 128 : i32
    %dma_start3A_73 = arith.constant 0 : i32
    %dma_start3A_74 = tpu.memref_slice %arg12[%dma_start3A_72, %dma_start3A_73] : memref<512x64xf32, #tpu.memory_space<vmem>> -> memref<128x64xf32, #tpu.memory_space<vmem>>
    %dma_start3A_75 = arith.constant 0 : i32
    %dma_start3A_76 = tpu.memref_slice %arg10[%dma_start3A_71, %dma_start3A_75] : memref<4x128xi32, #tpu.memory_space<vmem>> -> memref<1x128xi32, #tpu.memory_space<vmem>>
    %dma_start3A_77 = tpu.memref_squeeze %dma_start3A_76 : memref<1x128xi32, #tpu.memory_space<vmem>> -> memref<128xi32, #tpu.memory_space<vmem>>
    %dma_start3A_78 = arith.constant 0 : i32
    %dma_start3A_79 = arith.constant 0 : i32
    %dma_start3A_80 = tpu.memref_slice %arg6[%dma_start3A_78, %dma_start3A_79] : memref<1000000x64xf32, #tpu.memory_space<hbm>> -> memref<1000000x64xf32, #tpu.memory_space<hbm>>
    tpu.enqueue_indirect_dma source(%dma_start3A_80 : memref<1000000x64xf32, #tpu.memory_space<hbm>>) target(%dma_start3A_74 : memref<128x64xf32, #tpu.memory_space<vmem>>) offsets(%dma_start3A_77 : memref<128xi32, #tpu.memory_space<vmem>>) semaphore(%arg17 : memref<!tpu.dma_semaphore, #tpu.memory_space<semaphore_mem>>)
    %dma_start3A_81 = arith.constant 1 : i32
    %dma_start3A_82 = arith.constant 128 : i32
    %dma_start3A_83 = tpu.memref_slice %arg13[%dma_start3A_82] : memref<512xf32, #tpu.memory_space<vmem>> -> memref<128xf32, #tpu.memory_space<vmem>>
    %dma_start3A_84 = arith.constant 0 : i32
    %dma_start3A_85 = tpu.memref_slice %arg9[%dma_start3A_81, %dma_start3A_84] : memref<4x128xi32, #tpu.memory_space<vmem>> -> memref<1x128xi32, #tpu.memory_space<vmem>>
    %dma_start3A_86 = tpu.memref_squeeze %dma_start3A_85 : memref<1x128xi32, #tpu.memory_space<vmem>> -> memref<128xi32, #tpu.memory_space<vmem>>
    %dma_start3A_87 = arith.constant 0 : i32
    %dma_start3A_88 = tpu.memref_slice %arg5[%dma_start3A_87] : memref<1000000xf32, #tpu.memory_space<hbm>> -> memref<1000000xf32, #tpu.memory_space<hbm>>
    tpu.enqueue_indirect_dma source(%dma_start3A_88 : memref<1000000xf32, #tpu.memory_space<hbm>>) target(%dma_start3A_83 : memref<128xf32, #tpu.memory_space<vmem>>) offsets(%dma_start3A_86 : memref<128xi32, #tpu.memory_space<vmem>>) semaphore(%arg17 : memref<!tpu.dma_semaphore, #tpu.memory_space<semaphore_mem>>)
    %dma_start3A_89 = arith.constant 1 : i32
    %dma_start3A_90 = arith.constant 128 : i32
    %dma_start3A_91 = tpu.memref_slice %arg14[%dma_start3A_90] : memref<512xf32, #tpu.memory_space<vmem>> -> memref<128xf32, #tpu.memory_space<vmem>>
    %dma_start3A_92 = arith.constant 0 : i32
    %dma_start3A_93 = tpu.memref_slice %arg10[%dma_start3A_89, %dma_start3A_92] : memref<4x128xi32, #tpu.memory_space<vmem>> -> memref<1x128xi32, #tpu.memory_space<vmem>>
    %dma_start3A_94 = tpu.memref_squeeze %dma_start3A_93 : memref<1x128xi32, #tpu.memory_space<vmem>> -> memref<128xi32, #tpu.memory_space<vmem>>
    %dma_start3A_95 = arith.constant 0 : i32
    %dma_start3A_96 = tpu.memref_slice %arg7[%dma_start3A_95] : memref<1000000xf32, #tpu.memory_space<hbm>> -> memref<1000000xf32, #tpu.memory_space<hbm>>
    tpu.enqueue_indirect_dma source(%dma_start3A_96 : memref<1000000xf32, #tpu.memory_space<hbm>>) target(%dma_start3A_91 : memref<128xf32, #tpu.memory_space<vmem>>) offsets(%dma_start3A_94 : memref<128xi32, #tpu.memory_space<vmem>>) semaphore(%arg17 : memref<!tpu.dma_semaphore, #tpu.memory_space<semaphore_mem>>)
    %dma_start3A_97 = arith.constant 2 : i32
    %dma_start3A_98 = arith.constant 256 : i32
    %dma_start3A_99 = arith.constant 0 : i32
    %dma_start3A_100 = tpu.memref_slice %arg11[%dma_start3A_98, %dma_start3A_99] : memref<512x64xf32, #tpu.memory_space<vmem>> -> memref<128x64xf32, #tpu.memory_space<vmem>>
    %dma_start3A_101 = arith.constant 0 : i32
    %dma_start3A_102 = tpu.memref_slice %arg9[%dma_start3A_97, %dma_start3A_101] : memref<4x128xi32, #tpu.memory_space<vmem>> -> memref<1x128xi32, #tpu.memory_space<vmem>>
    %dma_start3A_103 = tpu.memref_squeeze %dma_start3A_102 : memref<1x128xi32, #tpu.memory_space<vmem>> -> memref<128xi32, #tpu.memory_space<vmem>>
    %dma_start3A_104 = arith.constant 0 : i32
    %dma_start3A_105 = arith.constant 0 : i32
    %dma_start3A_106 = tpu.memref_slice %arg4[%dma_start3A_104, %dma_start3A_105] : memref<1000000x64xf32, #tpu.memory_space<hbm>> -> memref<1000000x64xf32, #tpu.memory_space<hbm>>
    tpu.enqueue_indirect_dma source(%dma_start3A_106 : memref<1000000x64xf32, #tpu.memory_space<hbm>>) target(%dma_start3A_100 : memref<128x64xf32, #tpu.memory_space<vmem>>) offsets(%dma_start3A_103 : memref<128xi32, #tpu.memory_space<vmem>>) semaphore(%arg17 : memref<!tpu.dma_semaphore, #tpu.memory_space<semaphore_mem>>)
    %dma_start3A_107 = arith.constant 2 : i32
    %dma_start3A_108 = arith.constant 256 : i32
    %dma_start3A_109 = arith.constant 0 : i32
    %dma_start3A_110 = tpu.memref_slice %arg12[%dma_start3A_108, %dma_start3A_109] : memref<512x64xf32, #tpu.memory_space<vmem>> -> memref<128x64xf32, #tpu.memory_space<vmem>>
    %dma_start3A_111 = arith.constant 0 : i32
    %dma_start3A_112 = tpu.memref_slice %arg10[%dma_start3A_107, %dma_start3A_111] : memref<4x128xi32, #tpu.memory_space<vmem>> -> memref<1x128xi32, #tpu.memory_space<vmem>>
    %dma_start3A_113 = tpu.memref_squeeze %dma_start3A_112 : memref<1x128xi32, #tpu.memory_space<vmem>> -> memref<128xi32, #tpu.memory_space<vmem>>
    %dma_start3A_114 = arith.constant 0 : i32
    %dma_start3A_115 = arith.constant 0 : i32
    %dma_start3A_116 = tpu.memref_slice %arg6[%dma_start3A_114, %dma_start3A_115] : memref<1000000x64xf32, #tpu.memory_space<hbm>> -> memref<1000000x64xf32, #tpu.memory_space<hbm>>
    tpu.enqueue_indirect_dma source(%dma_start3A_116 : memref<1000000x64xf32, #tpu.memory_space<hbm>>) target(%dma_start3A_110 : memref<128x64xf32, #tpu.memory_space<vmem>>) offsets(%dma_start3A_113 : memref<128xi32, #tpu.memory_space<vmem>>) semaphore(%arg17 : memref<!tpu.dma_semaphore, #tpu.memory_space<semaphore_mem>>)
    %dma_start3A_117 = arith.constant 2 : i32
    %dma_start3A_118 = arith.constant 256 : i32
    %dma_start3A_119 = tpu.memref_slice %arg13[%dma_start3A_118] : memref<512xf32, #tpu.memory_space<vmem>> -> memref<128xf32, #tpu.memory_space<vmem>>
    %dma_start3A_120 = arith.constant 0 : i32
    %dma_start3A_121 = tpu.memref_slice %arg9[%dma_start3A_117, %dma_start3A_120] : memref<4x128xi32, #tpu.memory_space<vmem>> -> memref<1x128xi32, #tpu.memory_space<vmem>>
    %dma_start3A_122 = tpu.memref_squeeze %dma_start3A_121 : memref<1x128xi32, #tpu.memory_space<vmem>> -> memref<128xi32, #tpu.memory_space<vmem>>
    %dma_start3A_123 = arith.constant 0 : i32
    %dma_start3A_124 = tpu.memref_slice %arg5[%dma_start3A_123] : memref<1000000xf32, #tpu.memory_space<hbm>> -> memref<1000000xf32, #tpu.memory_space<hbm>>
    tpu.enqueue_indirect_dma source(%dma_start3A_124 : memref<1000000xf32, #tpu.memory_space<hbm>>) target(%dma_start3A_119 : memref<128xf32, #tpu.memory_space<vmem>>) offsets(%dma_start3A_122 : memref<128xi32, #tpu.memory_space<vmem>>) semaphore(%arg17 : memref<!tpu.dma_semaphore, #tpu.memory_space<semaphore_mem>>)
    %dma_start3A_125 = arith.constant 2 : i32
    %dma_start3A_126 = arith.constant 256 : i32
    %dma_start3A_127 = tpu.memref_slice %arg14[%dma_start3A_126] : memref<512xf32, #tpu.memory_space<vmem>> -> memref<128xf32, #tpu.memory_space<vmem>>
    %dma_start3A_128 = arith.constant 0 : i32
    %dma_start3A_129 = tpu.memref_slice %arg10[%dma_start3A_125, %dma_start3A_128] : memref<4x128xi32, #tpu.memory_space<vmem>> -> memref<1x128xi32, #tpu.memory_space<vmem>>
    %dma_start3A_130 = tpu.memref_squeeze %dma_start3A_129 : memref<1x128xi32, #tpu.memory_space<vmem>> -> memref<128xi32, #tpu.memory_space<vmem>>
    %dma_start3A_131 = arith.constant 0 : i32
    %dma_start3A_132 = tpu.memref_slice %arg7[%dma_start3A_131] : memref<1000000xf32, #tpu.memory_space<hbm>> -> memref<1000000xf32, #tpu.memory_space<hbm>>
    tpu.enqueue_indirect_dma source(%dma_start3A_132 : memref<1000000xf32, #tpu.memory_space<hbm>>) target(%dma_start3A_127 : memref<128xf32, #tpu.memory_space<vmem>>) offsets(%dma_start3A_130 : memref<128xi32, #tpu.memory_space<vmem>>) semaphore(%arg17 : memref<!tpu.dma_semaphore, #tpu.memory_space<semaphore_mem>>)
    %dma_start3A_133 = arith.constant 3 : i32
    %dma_start3A_134 = arith.constant 384 : i32
    %dma_start3A_135 = arith.constant 0 : i32
    %dma_start3A_136 = tpu.memref_slice %arg11[%dma_start3A_134, %dma_start3A_135] : memref<512x64xf32, #tpu.memory_space<vmem>> -> memref<128x64xf32, #tpu.memory_space<vmem>>
    %dma_start3A_137 = arith.constant 0 : i32
    %dma_start3A_138 = tpu.memref_slice %arg9[%dma_start3A_133, %dma_start3A_137] : memref<4x128xi32, #tpu.memory_space<vmem>> -> memref<1x128xi32, #tpu.memory_space<vmem>>
    %dma_start3A_139 = tpu.memref_squeeze %dma_start3A_138 : memref<1x128xi32, #tpu.memory_space<vmem>> -> memref<128xi32, #tpu.memory_space<vmem>>
    %dma_start3A_140 = arith.constant 0 : i32
    %dma_start3A_141 = arith.constant 0 : i32
    %dma_start3A_142 = tpu.memref_slice %arg4[%dma_start3A_140, %dma_start3A_141] : memref<1000000x64xf32, #tpu.memory_space<hbm>> -> memref<1000000x64xf32, #tpu.memory_space<hbm>>
    tpu.enqueue_indirect_dma source(%dma_start3A_142 : memref<1000000x64xf32, #tpu.memory_space<hbm>>) target(%dma_start3A_136 : memref<128x64xf32, #tpu.memory_space<vmem>>) offsets(%dma_start3A_139 : memref<128xi32, #tpu.memory_space<vmem>>) semaphore(%arg17 : memref<!tpu.dma_semaphore, #tpu.memory_space<semaphore_mem>>)
    %dma_start3A_143 = arith.constant 3 : i32
    %dma_start3A_144 = arith.constant 384 : i32
    %dma_start3A_145 = arith.constant 0 : i32
    %dma_start3A_146 = tpu.memref_slice %arg12[%dma_start3A_144, %dma_start3A_145] : memref<512x64xf32, #tpu.memory_space<vmem>> -> memref<128x64xf32, #tpu.memory_space<vmem>>
    %dma_start3A_147 = arith.constant 0 : i32
    %dma_start3A_148 = tpu.memref_slice %arg10[%dma_start3A_143, %dma_start3A_147] : memref<4x128xi32, #tpu.memory_space<vmem>> -> memref<1x128xi32, #tpu.memory_space<vmem>>
    %dma_start3A_149 = tpu.memref_squeeze %dma_start3A_148 : memref<1x128xi32, #tpu.memory_space<vmem>> -> memref<128xi32, #tpu.memory_space<vmem>>
    %dma_start3A_150 = arith.constant 0 : i32
    %dma_start3A_151 = arith.constant 0 : i32
    %dma_start3A_152 = tpu.memref_slice %arg6[%dma_start3A_150, %dma_start3A_151] : memref<1000000x64xf32, #tpu.memory_space<hbm>> -> memref<1000000x64xf32, #tpu.memory_space<hbm>>
    tpu.enqueue_indirect_dma source(%dma_start3A_152 : memref<1000000x64xf32, #tpu.memory_space<hbm>>) target(%dma_start3A_146 : memref<128x64xf32, #tpu.memory_space<vmem>>) offsets(%dma_start3A_149 : memref<128xi32, #tpu.memory_space<vmem>>) semaphore(%arg17 : memref<!tpu.dma_semaphore, #tpu.memory_space<semaphore_mem>>)
    %dma_start3A_153 = arith.constant 3 : i32
    %dma_start3A_154 = arith.constant 384 : i32
    %dma_start3A_155 = tpu.memref_slice %arg13[%dma_start3A_154] : memref<512xf32, #tpu.memory_space<vmem>> -> memref<128xf32, #tpu.memory_space<vmem>>
    %dma_start3A_156 = arith.constant 0 : i32
    %dma_start3A_157 = tpu.memref_slice %arg9[%dma_start3A_153, %dma_start3A_156] : memref<4x128xi32, #tpu.memory_space<vmem>> -> memref<1x128xi32, #tpu.memory_space<vmem>>
    %dma_start3A_158 = tpu.memref_squeeze %dma_start3A_157 : memref<1x128xi32, #tpu.memory_space<vmem>> -> memref<128xi32, #tpu.memory_space<vmem>>
    %dma_start3A_159 = arith.constant 0 : i32
    %dma_start3A_160 = tpu.memref_slice %arg5[%dma_start3A_159] : memref<1000000xf32, #tpu.memory_space<hbm>> -> memref<1000000xf32, #tpu.memory_space<hbm>>
    tpu.enqueue_indirect_dma source(%dma_start3A_160 : memref<1000000xf32, #tpu.memory_space<hbm>>) target(%dma_start3A_155 : memref<128xf32, #tpu.memory_space<vmem>>) offsets(%dma_start3A_158 : memref<128xi32, #tpu.memory_space<vmem>>) semaphore(%arg17 : memref<!tpu.dma_semaphore, #tpu.memory_space<semaphore_mem>>)
    %dma_start3A_161 = arith.constant 3 : i32
    %dma_start3A_162 = arith.constant 384 : i32
    %dma_start3A_163 = tpu.memref_slice %arg14[%dma_start3A_162] : memref<512xf32, #tpu.memory_space<vmem>> -> memref<128xf32, #tpu.memory_space<vmem>>
    %dma_start3A_164 = arith.constant 0 : i32
    %dma_start3A_165 = tpu.memref_slice %arg10[%dma_start3A_161, %dma_start3A_164] : memref<4x128xi32, #tpu.memory_space<vmem>> -> memref<1x128xi32, #tpu.memory_space<vmem>>
    %dma_start3A_166 = tpu.memref_squeeze %dma_start3A_165 : memref<1x128xi32, #tpu.memory_space<vmem>> -> memref<128xi32, #tpu.memory_space<vmem>>
    %dma_start3A_167 = arith.constant 0 : i32
    %dma_start3A_168 = tpu.memref_slice %arg7[%dma_start3A_167] : memref<1000000xf32, #tpu.memory_space<hbm>> -> memref<1000000xf32, #tpu.memory_space<hbm>>
    tpu.enqueue_indirect_dma source(%dma_start3A_168 : memref<1000000xf32, #tpu.memory_space<hbm>>) target(%dma_start3A_163 : memref<128xf32, #tpu.memory_space<vmem>>) offsets(%dma_start3A_166 : memref<128xi32, #tpu.memory_space<vmem>>) semaphore(%arg17 : memref<!tpu.dma_semaphore, #tpu.memory_space<semaphore_mem>>)
    %dma_wait3A = arith.constant 0 : i32
    %dma_wait3A_169 = arith.constant 0 : i32
    %dma_wait3A_170 = arith.constant 0 : i32
    %dma_wait3A_171 = tpu.memref_slice %arg11[%dma_wait3A_169, %dma_wait3A_170] : memref<512x64xf32, #tpu.memory_space<vmem>> -> memref<128x64xf32, #tpu.memory_space<vmem>>
    %dma_wait3A_172 = arith.constant 0 : i32
    %dma_wait3A_173 = tpu.memref_slice %arg9[%dma_wait3A, %dma_wait3A_172] : memref<4x128xi32, #tpu.memory_space<vmem>> -> memref<1x128xi32, #tpu.memory_space<vmem>>
    %dma_wait3A_174 = tpu.memref_squeeze %dma_wait3A_173 : memref<1x128xi32, #tpu.memory_space<vmem>> -> memref<128xi32, #tpu.memory_space<vmem>>
    %dma_wait3A_175 = arith.constant 0 : i32
    %dma_wait3A_176 = arith.constant 0 : i32
    %dma_wait3A_177 = tpu.memref_slice %arg4[%dma_wait3A_175, %dma_wait3A_176] : memref<1000000x64xf32, #tpu.memory_space<hbm>> -> memref<1000000x64xf32, #tpu.memory_space<hbm>>
    tpu.wait_indirect_dma semaphore(%arg17 : memref<!tpu.dma_semaphore, #tpu.memory_space<semaphore_mem>>) src(%dma_wait3A_177 : memref<1000000x64xf32, #tpu.memory_space<hbm>>) dst(%dma_wait3A_171 : memref<128x64xf32, #tpu.memory_space<vmem>>)
    %dma_wait3A_178 = arith.constant 0 : i32
    %dma_wait3A_179 = arith.constant 0 : i32
    %dma_wait3A_180 = arith.constant 0 : i32
    %dma_wait3A_181 = tpu.memref_slice %arg12[%dma_wait3A_179, %dma_wait3A_180] : memref<512x64xf32, #tpu.memory_space<vmem>> -> memref<128x64xf32, #tpu.memory_space<vmem>>
    %dma_wait3A_182 = arith.constant 0 : i32
    %dma_wait3A_183 = tpu.memref_slice %arg10[%dma_wait3A_178, %dma_wait3A_182] : memref<4x128xi32, #tpu.memory_space<vmem>> -> memref<1x128xi32, #tpu.memory_space<vmem>>
    %dma_wait3A_184 = tpu.memref_squeeze %dma_wait3A_183 : memref<1x128xi32, #tpu.memory_space<vmem>> -> memref<128xi32, #tpu.memory_space<vmem>>
    %dma_wait3A_185 = arith.constant 0 : i32
    %dma_wait3A_186 = arith.constant 0 : i32
    %dma_wait3A_187 = tpu.memref_slice %arg6[%dma_wait3A_185, %dma_wait3A_186] : memref<1000000x64xf32, #tpu.memory_space<hbm>> -> memref<1000000x64xf32, #tpu.memory_space<hbm>>
    tpu.wait_indirect_dma semaphore(%arg17 : memref<!tpu.dma_semaphore, #tpu.memory_space<semaphore_mem>>) src(%dma_wait3A_187 : memref<1000000x64xf32, #tpu.memory_space<hbm>>) dst(%dma_wait3A_181 : memref<128x64xf32, #tpu.memory_space<vmem>>)
    %dma_wait3A_188 = arith.constant 0 : i32
    %dma_wait3A_189 = arith.constant 0 : i32
    %dma_wait3A_190 = tpu.memref_slice %arg13[%dma_wait3A_189] : memref<512xf32, #tpu.memory_space<vmem>> -> memref<128xf32, #tpu.memory_space<vmem>>
    %dma_wait3A_191 = arith.constant 0 : i32
    %dma_wait3A_192 = tpu.memref_slice %arg9[%dma_wait3A_188, %dma_wait3A_191] : memref<4x128xi32, #tpu.memory_space<vmem>> -> memref<1x128xi32, #tpu.memory_space<vmem>>
    %dma_wait3A_193 = tpu.memref_squeeze %dma_wait3A_192 : memref<1x128xi32, #tpu.memory_space<vmem>> -> memref<128xi32, #tpu.memory_space<vmem>>
    %dma_wait3A_194 = arith.constant 0 : i32
    %dma_wait3A_195 = tpu.memref_slice %arg5[%dma_wait3A_194] : memref<1000000xf32, #tpu.memory_space<hbm>> -> memref<1000000xf32, #tpu.memory_space<hbm>>
    tpu.wait_indirect_dma semaphore(%arg17 : memref<!tpu.dma_semaphore, #tpu.memory_space<semaphore_mem>>) src(%dma_wait3A_195 : memref<1000000xf32, #tpu.memory_space<hbm>>) dst(%dma_wait3A_190 : memref<128xf32, #tpu.memory_space<vmem>>)
    %dma_wait3A_196 = arith.constant 0 : i32
    %dma_wait3A_197 = arith.constant 0 : i32
    %dma_wait3A_198 = tpu.memref_slice %arg14[%dma_wait3A_197] : memref<512xf32, #tpu.memory_space<vmem>> -> memref<128xf32, #tpu.memory_space<vmem>>
    %dma_wait3A_199 = arith.constant 0 : i32
    %dma_wait3A_200 = tpu.memref_slice %arg10[%dma_wait3A_196, %dma_wait3A_199] : memref<4x128xi32, #tpu.memory_space<vmem>> -> memref<1x128xi32, #tpu.memory_space<vmem>>
    %dma_wait3A_201 = tpu.memref_squeeze %dma_wait3A_200 : memref<1x128xi32, #tpu.memory_space<vmem>> -> memref<128xi32, #tpu.memory_space<vmem>>
    %dma_wait3A_202 = arith.constant 0 : i32
    %dma_wait3A_203 = tpu.memref_slice %arg7[%dma_wait3A_202] : memref<1000000xf32, #tpu.memory_space<hbm>> -> memref<1000000xf32, #tpu.memory_space<hbm>>
    tpu.wait_indirect_dma semaphore(%arg17 : memref<!tpu.dma_semaphore, #tpu.memory_space<semaphore_mem>>) src(%dma_wait3A_203 : memref<1000000xf32, #tpu.memory_space<hbm>>) dst(%dma_wait3A_198 : memref<128xf32, #tpu.memory_space<vmem>>)
    %dma_wait3A_204 = arith.constant 1 : i32
    %dma_wait3A_205 = arith.constant 128 : i32
    %dma_wait3A_206 = arith.constant 0 : i32
    %dma_wait3A_207 = tpu.memref_slice %arg11[%dma_wait3A_205, %dma_wait3A_206] : memref<512x64xf32, #tpu.memory_space<vmem>> -> memref<128x64xf32, #tpu.memory_space<vmem>>
    %dma_wait3A_208 = arith.constant 0 : i32
    %dma_wait3A_209 = tpu.memref_slice %arg9[%dma_wait3A_204, %dma_wait3A_208] : memref<4x128xi32, #tpu.memory_space<vmem>> -> memref<1x128xi32, #tpu.memory_space<vmem>>
    %dma_wait3A_210 = tpu.memref_squeeze %dma_wait3A_209 : memref<1x128xi32, #tpu.memory_space<vmem>> -> memref<128xi32, #tpu.memory_space<vmem>>
    %dma_wait3A_211 = arith.constant 0 : i32
    %dma_wait3A_212 = arith.constant 0 : i32
    %dma_wait3A_213 = tpu.memref_slice %arg4[%dma_wait3A_211, %dma_wait3A_212] : memref<1000000x64xf32, #tpu.memory_space<hbm>> -> memref<1000000x64xf32, #tpu.memory_space<hbm>>
    tpu.wait_indirect_dma semaphore(%arg17 : memref<!tpu.dma_semaphore, #tpu.memory_space<semaphore_mem>>) src(%dma_wait3A_213 : memref<1000000x64xf32, #tpu.memory_space<hbm>>) dst(%dma_wait3A_207 : memref<128x64xf32, #tpu.memory_space<vmem>>)
    %dma_wait3A_214 = arith.constant 1 : i32
    %dma_wait3A_215 = arith.constant 128 : i32
    %dma_wait3A_216 = arith.constant 0 : i32
    %dma_wait3A_217 = tpu.memref_slice %arg12[%dma_wait3A_215, %dma_wait3A_216] : memref<512x64xf32, #tpu.memory_space<vmem>> -> memref<128x64xf32, #tpu.memory_space<vmem>>
    %dma_wait3A_218 = arith.constant 0 : i32
    %dma_wait3A_219 = tpu.memref_slice %arg10[%dma_wait3A_214, %dma_wait3A_218] : memref<4x128xi32, #tpu.memory_space<vmem>> -> memref<1x128xi32, #tpu.memory_space<vmem>>
    %dma_wait3A_220 = tpu.memref_squeeze %dma_wait3A_219 : memref<1x128xi32, #tpu.memory_space<vmem>> -> memref<128xi32, #tpu.memory_space<vmem>>
    %dma_wait3A_221 = arith.constant 0 : i32
    %dma_wait3A_222 = arith.constant 0 : i32
    %dma_wait3A_223 = tpu.memref_slice %arg6[%dma_wait3A_221, %dma_wait3A_222] : memref<1000000x64xf32, #tpu.memory_space<hbm>> -> memref<1000000x64xf32, #tpu.memory_space<hbm>>
    tpu.wait_indirect_dma semaphore(%arg17 : memref<!tpu.dma_semaphore, #tpu.memory_space<semaphore_mem>>) src(%dma_wait3A_223 : memref<1000000x64xf32, #tpu.memory_space<hbm>>) dst(%dma_wait3A_217 : memref<128x64xf32, #tpu.memory_space<vmem>>)
    %dma_wait3A_224 = arith.constant 1 : i32
    %dma_wait3A_225 = arith.constant 128 : i32
    %dma_wait3A_226 = tpu.memref_slice %arg13[%dma_wait3A_225] : memref<512xf32, #tpu.memory_space<vmem>> -> memref<128xf32, #tpu.memory_space<vmem>>
    %dma_wait3A_227 = arith.constant 0 : i32
    %dma_wait3A_228 = tpu.memref_slice %arg9[%dma_wait3A_224, %dma_wait3A_227] : memref<4x128xi32, #tpu.memory_space<vmem>> -> memref<1x128xi32, #tpu.memory_space<vmem>>
    %dma_wait3A_229 = tpu.memref_squeeze %dma_wait3A_228 : memref<1x128xi32, #tpu.memory_space<vmem>> -> memref<128xi32, #tpu.memory_space<vmem>>
    %dma_wait3A_230 = arith.constant 0 : i32
    %dma_wait3A_231 = tpu.memref_slice %arg5[%dma_wait3A_230] : memref<1000000xf32, #tpu.memory_space<hbm>> -> memref<1000000xf32, #tpu.memory_space<hbm>>
    tpu.wait_indirect_dma semaphore(%arg17 : memref<!tpu.dma_semaphore, #tpu.memory_space<semaphore_mem>>) src(%dma_wait3A_231 : memref<1000000xf32, #tpu.memory_space<hbm>>) dst(%dma_wait3A_226 : memref<128xf32, #tpu.memory_space<vmem>>)
    %dma_wait3A_232 = arith.constant 1 : i32
    %dma_wait3A_233 = arith.constant 128 : i32
    %dma_wait3A_234 = tpu.memref_slice %arg14[%dma_wait3A_233] : memref<512xf32, #tpu.memory_space<vmem>> -> memref<128xf32, #tpu.memory_space<vmem>>
    %dma_wait3A_235 = arith.constant 0 : i32
    %dma_wait3A_236 = tpu.memref_slice %arg10[%dma_wait3A_232, %dma_wait3A_235] : memref<4x128xi32, #tpu.memory_space<vmem>> -> memref<1x128xi32, #tpu.memory_space<vmem>>
    %dma_wait3A_237 = tpu.memref_squeeze %dma_wait3A_236 : memref<1x128xi32, #tpu.memory_space<vmem>> -> memref<128xi32, #tpu.memory_space<vmem>>
    %dma_wait3A_238 = arith.constant 0 : i32
    %dma_wait3A_239 = tpu.memref_slice %arg7[%dma_wait3A_238] : memref<1000000xf32, #tpu.memory_space<hbm>> -> memref<1000000xf32, #tpu.memory_space<hbm>>
    tpu.wait_indirect_dma semaphore(%arg17 : memref<!tpu.dma_semaphore, #tpu.memory_space<semaphore_mem>>) src(%dma_wait3A_239 : memref<1000000xf32, #tpu.memory_space<hbm>>) dst(%dma_wait3A_234 : memref<128xf32, #tpu.memory_space<vmem>>)
    %dma_wait3A_240 = arith.constant 2 : i32
    %dma_wait3A_241 = arith.constant 256 : i32
    %dma_wait3A_242 = arith.constant 0 : i32
    %dma_wait3A_243 = tpu.memref_slice %arg11[%dma_wait3A_241, %dma_wait3A_242] : memref<512x64xf32, #tpu.memory_space<vmem>> -> memref<128x64xf32, #tpu.memory_space<vmem>>
    %dma_wait3A_244 = arith.constant 0 : i32
    %dma_wait3A_245 = tpu.memref_slice %arg9[%dma_wait3A_240, %dma_wait3A_244] : memref<4x128xi32, #tpu.memory_space<vmem>> -> memref<1x128xi32, #tpu.memory_space<vmem>>
    %dma_wait3A_246 = tpu.memref_squeeze %dma_wait3A_245 : memref<1x128xi32, #tpu.memory_space<vmem>> -> memref<128xi32, #tpu.memory_space<vmem>>
    %dma_wait3A_247 = arith.constant 0 : i32
    %dma_wait3A_248 = arith.constant 0 : i32
    %dma_wait3A_249 = tpu.memref_slice %arg4[%dma_wait3A_247, %dma_wait3A_248] : memref<1000000x64xf32, #tpu.memory_space<hbm>> -> memref<1000000x64xf32, #tpu.memory_space<hbm>>
    tpu.wait_indirect_dma semaphore(%arg17 : memref<!tpu.dma_semaphore, #tpu.memory_space<semaphore_mem>>) src(%dma_wait3A_249 : memref<1000000x64xf32, #tpu.memory_space<hbm>>) dst(%dma_wait3A_243 : memref<128x64xf32, #tpu.memory_space<vmem>>)
    %dma_wait3A_250 = arith.constant 2 : i32
    %dma_wait3A_251 = arith.constant 256 : i32
    %dma_wait3A_252 = arith.constant 0 : i32
    %dma_wait3A_253 = tpu.memref_slice %arg12[%dma_wait3A_251, %dma_wait3A_252] : memref<512x64xf32, #tpu.memory_space<vmem>> -> memref<128x64xf32, #tpu.memory_space<vmem>>
    %dma_wait3A_254 = arith.constant 0 : i32
    %dma_wait3A_255 = tpu.memref_slice %arg10[%dma_wait3A_250, %dma_wait3A_254] : memref<4x128xi32, #tpu.memory_space<vmem>> -> memref<1x128xi32, #tpu.memory_space<vmem>>
    %dma_wait3A_256 = tpu.memref_squeeze %dma_wait3A_255 : memref<1x128xi32, #tpu.memory_space<vmem>> -> memref<128xi32, #tpu.memory_space<vmem>>
    %dma_wait3A_257 = arith.constant 0 : i32
    %dma_wait3A_258 = arith.constant 0 : i32
    %dma_wait3A_259 = tpu.memref_slice %arg6[%dma_wait3A_257, %dma_wait3A_258] : memref<1000000x64xf32, #tpu.memory_space<hbm>> -> memref<1000000x64xf32, #tpu.memory_space<hbm>>
    tpu.wait_indirect_dma semaphore(%arg17 : memref<!tpu.dma_semaphore, #tpu.memory_space<semaphore_mem>>) src(%dma_wait3A_259 : memref<1000000x64xf32, #tpu.memory_space<hbm>>) dst(%dma_wait3A_253 : memref<128x64xf32, #tpu.memory_space<vmem>>)
    %dma_wait3A_260 = arith.constant 2 : i32
    %dma_wait3A_261 = arith.constant 256 : i32
    %dma_wait3A_262 = tpu.memref_slice %arg13[%dma_wait3A_261] : memref<512xf32, #tpu.memory_space<vmem>> -> memref<128xf32, #tpu.memory_space<vmem>>
    %dma_wait3A_263 = arith.constant 0 : i32
    %dma_wait3A_264 = tpu.memref_slice %arg9[%dma_wait3A_260, %dma_wait3A_263] : memref<4x128xi32, #tpu.memory_space<vmem>> -> memref<1x128xi32, #tpu.memory_space<vmem>>
    %dma_wait3A_265 = tpu.memref_squeeze %dma_wait3A_264 : memref<1x128xi32, #tpu.memory_space<vmem>> -> memref<128xi32, #tpu.memory_space<vmem>>
    %dma_wait3A_266 = arith.constant 0 : i32
    %dma_wait3A_267 = tpu.memref_slice %arg5[%dma_wait3A_266] : memref<1000000xf32, #tpu.memory_space<hbm>> -> memref<1000000xf32, #tpu.memory_space<hbm>>
    tpu.wait_indirect_dma semaphore(%arg17 : memref<!tpu.dma_semaphore, #tpu.memory_space<semaphore_mem>>) src(%dma_wait3A_267 : memref<1000000xf32, #tpu.memory_space<hbm>>) dst(%dma_wait3A_262 : memref<128xf32, #tpu.memory_space<vmem>>)
    %dma_wait3A_268 = arith.constant 2 : i32
    %dma_wait3A_269 = arith.constant 256 : i32
    %dma_wait3A_270 = tpu.memref_slice %arg14[%dma_wait3A_269] : memref<512xf32, #tpu.memory_space<vmem>> -> memref<128xf32, #tpu.memory_space<vmem>>
    %dma_wait3A_271 = arith.constant 0 : i32
    %dma_wait3A_272 = tpu.memref_slice %arg10[%dma_wait3A_268, %dma_wait3A_271] : memref<4x128xi32, #tpu.memory_space<vmem>> -> memref<1x128xi32, #tpu.memory_space<vmem>>
    %dma_wait3A_273 = tpu.memref_squeeze %dma_wait3A_272 : memref<1x128xi32, #tpu.memory_space<vmem>> -> memref<128xi32, #tpu.memory_space<vmem>>
    %dma_wait3A_274 = arith.constant 0 : i32
    %dma_wait3A_275 = tpu.memref_slice %arg7[%dma_wait3A_274] : memref<1000000xf32, #tpu.memory_space<hbm>> -> memref<1000000xf32, #tpu.memory_space<hbm>>
    tpu.wait_indirect_dma semaphore(%arg17 : memref<!tpu.dma_semaphore, #tpu.memory_space<semaphore_mem>>) src(%dma_wait3A_275 : memref<1000000xf32, #tpu.memory_space<hbm>>) dst(%dma_wait3A_270 : memref<128xf32, #tpu.memory_space<vmem>>)
    %dma_wait3A_276 = arith.constant 3 : i32
    %dma_wait3A_277 = arith.constant 384 : i32
    %dma_wait3A_278 = arith.constant 0 : i32
    %dma_wait3A_279 = tpu.memref_slice %arg11[%dma_wait3A_277, %dma_wait3A_278] : memref<512x64xf32, #tpu.memory_space<vmem>> -> memref<128x64xf32, #tpu.memory_space<vmem>>
    %dma_wait3A_280 = arith.constant 0 : i32
    %dma_wait3A_281 = tpu.memref_slice %arg9[%dma_wait3A_276, %dma_wait3A_280] : memref<4x128xi32, #tpu.memory_space<vmem>> -> memref<1x128xi32, #tpu.memory_space<vmem>>
    %dma_wait3A_282 = tpu.memref_squeeze %dma_wait3A_281 : memref<1x128xi32, #tpu.memory_space<vmem>> -> memref<128xi32, #tpu.memory_space<vmem>>
    %dma_wait3A_283 = arith.constant 0 : i32
    %dma_wait3A_284 = arith.constant 0 : i32
    %dma_wait3A_285 = tpu.memref_slice %arg4[%dma_wait3A_283, %dma_wait3A_284] : memref<1000000x64xf32, #tpu.memory_space<hbm>> -> memref<1000000x64xf32, #tpu.memory_space<hbm>>
    tpu.wait_indirect_dma semaphore(%arg17 : memref<!tpu.dma_semaphore, #tpu.memory_space<semaphore_mem>>) src(%dma_wait3A_285 : memref<1000000x64xf32, #tpu.memory_space<hbm>>) dst(%dma_wait3A_279 : memref<128x64xf32, #tpu.memory_space<vmem>>)
    %dma_wait3A_286 = arith.constant 3 : i32
    %dma_wait3A_287 = arith.constant 384 : i32
    %dma_wait3A_288 = arith.constant 0 : i32
    %dma_wait3A_289 = tpu.memref_slice %arg12[%dma_wait3A_287, %dma_wait3A_288] : memref<512x64xf32, #tpu.memory_space<vmem>> -> memref<128x64xf32, #tpu.memory_space<vmem>>
    %dma_wait3A_290 = arith.constant 0 : i32
    %dma_wait3A_291 = tpu.memref_slice %arg10[%dma_wait3A_286, %dma_wait3A_290] : memref<4x128xi32, #tpu.memory_space<vmem>> -> memref<1x128xi32, #tpu.memory_space<vmem>>
    %dma_wait3A_292 = tpu.memref_squeeze %dma_wait3A_291 : memref<1x128xi32, #tpu.memory_space<vmem>> -> memref<128xi32, #tpu.memory_space<vmem>>
    %dma_wait3A_293 = arith.constant 0 : i32
    %dma_wait3A_294 = arith.constant 0 : i32
    %dma_wait3A_295 = tpu.memref_slice %arg6[%dma_wait3A_293, %dma_wait3A_294] : memref<1000000x64xf32, #tpu.memory_space<hbm>> -> memref<1000000x64xf32, #tpu.memory_space<hbm>>
    tpu.wait_indirect_dma semaphore(%arg17 : memref<!tpu.dma_semaphore, #tpu.memory_space<semaphore_mem>>) src(%dma_wait3A_295 : memref<1000000x64xf32, #tpu.memory_space<hbm>>) dst(%dma_wait3A_289 : memref<128x64xf32, #tpu.memory_space<vmem>>)
    %dma_wait3A_296 = arith.constant 3 : i32
    %dma_wait3A_297 = arith.constant 384 : i32
    %dma_wait3A_298 = tpu.memref_slice %arg13[%dma_wait3A_297] : memref<512xf32, #tpu.memory_space<vmem>> -> memref<128xf32, #tpu.memory_space<vmem>>
    %dma_wait3A_299 = arith.constant 0 : i32
    %dma_wait3A_300 = tpu.memref_slice %arg9[%dma_wait3A_296, %dma_wait3A_299] : memref<4x128xi32, #tpu.memory_space<vmem>> -> memref<1x128xi32, #tpu.memory_space<vmem>>
    %dma_wait3A_301 = tpu.memref_squeeze %dma_wait3A_300 : memref<1x128xi32, #tpu.memory_space<vmem>> -> memref<128xi32, #tpu.memory_space<vmem>>
    %dma_wait3A_302 = arith.constant 0 : i32
    %dma_wait3A_303 = tpu.memref_slice %arg5[%dma_wait3A_302] : memref<1000000xf32, #tpu.memory_space<hbm>> -> memref<1000000xf32, #tpu.memory_space<hbm>>
    tpu.wait_indirect_dma semaphore(%arg17 : memref<!tpu.dma_semaphore, #tpu.memory_space<semaphore_mem>>) src(%dma_wait3A_303 : memref<1000000xf32, #tpu.memory_space<hbm>>) dst(%dma_wait3A_298 : memref<128xf32, #tpu.memory_space<vmem>>)
    %dma_wait3A_304 = arith.constant 3 : i32
    %dma_wait3A_305 = arith.constant 384 : i32
    %dma_wait3A_306 = tpu.memref_slice %arg14[%dma_wait3A_305] : memref<512xf32, #tpu.memory_space<vmem>> -> memref<128xf32, #tpu.memory_space<vmem>>
    %dma_wait3A_307 = arith.constant 0 : i32
    %dma_wait3A_308 = tpu.memref_slice %arg10[%dma_wait3A_304, %dma_wait3A_307] : memref<4x128xi32, #tpu.memory_space<vmem>> -> memref<1x128xi32, #tpu.memory_space<vmem>>
    %dma_wait3A_309 = tpu.memref_squeeze %dma_wait3A_308 : memref<1x128xi32, #tpu.memory_space<vmem>> -> memref<128xi32, #tpu.memory_space<vmem>>
    %dma_wait3A_310 = arith.constant 0 : i32
    %dma_wait3A_311 = tpu.memref_slice %arg7[%dma_wait3A_310] : memref<1000000xf32, #tpu.memory_space<hbm>> -> memref<1000000xf32, #tpu.memory_space<hbm>>
    tpu.wait_indirect_dma semaphore(%arg17 : memref<!tpu.dma_semaphore, #tpu.memory_space<semaphore_mem>>) src(%dma_wait3A_311 : memref<1000000xf32, #tpu.memory_space<hbm>>) dst(%dma_wait3A_306 : memref<128xf32, #tpu.memory_space<vmem>>)
    %scan3A = arith.constant 0 : i32
    %scan3A_312 = arith.constant 0 : i32
    %scan3A_313 = arith.constant 512 : i32
    %scan3A_314 = arith.addi %scan3A_312, %scan3A_313 : i32
    %scan3A_315 = arith.constant 1 : i32
    %scan3A_316 = scf.for %scan3A_325 = %scan3A_312 to %scan3A_314 step %scan3A_315 iter_args(%scan3A_326 = %scan3A) -> (i32)  : i32 {
      %get3A = arith.index_cast %scan3A_325 : i32 to index
      %get3A_327 = arith.constant 0 : index
      %get3A_328 = tpu.vector_load %arg11[%get3A, %get3A_327] {strides = array<i32>} : memref<512x64xf32, #tpu.memory_space<vmem>>, vector<16xf32>,
      %get3A_329 = arith.index_cast %scan3A_325 : i32 to index
      %get3A_330 = arith.constant 0 : index
      %get3A_331 = tpu.vector_load %arg12[%get3A_329, %get3A_330] {strides = array<i32>} : memref<512x64xf32, #tpu.memory_space<vmem>>, vector<16xf32>,
      %mul3A_332 = arith.mulf %get3A_328, %get3A_331 : vector<16xf32>
      %get3A_333 = arith.index_cast %scan3A_325 : i32 to index
      %get3A_334 = arith.constant 16 : index
      %get3A_335 = tpu.vector_load %arg11[%get3A_333, %get3A_334] {strides = array<i32>} : memref<512x64xf32, #tpu.memory_space<vmem>>, vector<16xf32>,
      %get3A_336 = arith.index_cast %scan3A_325 : i32 to index
      %get3A_337 = arith.constant 16 : index
      %get3A_338 = tpu.vector_load %arg12[%get3A_336, %get3A_337] {strides = array<i32>} : memref<512x64xf32, #tpu.memory_space<vmem>>, vector<16xf32>,
      %mul3A_339 = arith.mulf %get3A_335, %get3A_338 : vector<16xf32>
      %add3A_340 = arith.addf %mul3A_332, %mul3A_339 : vector<16xf32>
      %get3A_341 = arith.index_cast %scan3A_325 : i32 to index
      %get3A_342 = arith.constant 32 : index
      %get3A_343 = tpu.vector_load %arg11[%get3A_341, %get3A_342] {strides = array<i32>} : memref<512x64xf32, #tpu.memory_space<vmem>>, vector<16xf32>,
      %get3A_344 = arith.index_cast %scan3A_325 : i32 to index
      %get3A_345 = arith.constant 32 : index
      %get3A_346 = tpu.vector_load %arg12[%get3A_344, %get3A_345] {strides = array<i32>} : memref<512x64xf32, #tpu.memory_space<vmem>>, vector<16xf32>,
      %mul3A_347 = arith.mulf %get3A_343, %get3A_346 : vector<16xf32>
      %add3A_348 = arith.addf %add3A_340, %mul3A_347 : vector<16xf32>
      %get3A_349 = arith.index_cast %scan3A_325 : i32 to index
      %get3A_350 = arith.constant 48 : index
      %get3A_351 = tpu.vector_load %arg11[%get3A_349, %get3A_350] {strides = array<i32>} : memref<512x64xf32, #tpu.memory_space<vmem>>, vector<16xf32>,
      %get3A_352 = arith.index_cast %scan3A_325 : i32 to index
      %get3A_353 = arith.constant 48 : index
      %get3A_354 = tpu.vector_load %arg12[%get3A_352, %get3A_353] {strides = array<i32>} : memref<512x64xf32, #tpu.memory_space<vmem>>, vector<16xf32>,
      %mul3A_355 = arith.mulf %get3A_351, %get3A_354 : vector<16xf32>
      %add3A_356 = arith.addf %add3A_348, %mul3A_355 : vector<16xf32>
      %mul3A_357 = arith.constant 16 : i32
      %mul3A_358 = arith.muli %scan3A_325, %mul3A_357 : i32
      %swap3A = arith.index_cast %mul3A_358 : i32 to index
      %swap3A_359 = tpu.vector_load %arg15[%swap3A] {strides = array<i32>} : memref<8192xf32, #tpu.memory_space<vmem>>, vector<16xf32>,
      tpu.vector_store %arg15[%swap3A], %add3A_356 {strides = array<i32>} : memref<8192xf32, #tpu.memory_space<vmem>>, vector<16xf32>,
      %scan3A_360 = arith.constant 0 : i32
      scf.yield %scan3A_360 : i32
    }
    %scan3A_317 = arith.constant 512 : i32
    %iota3A = tpu.iota {dimensions = array<i32: 0>} : vector<16xi32>
    %scan3A_318 = arith.constant 0 : i32
    %scan3A_319 = arith.constant 0 : i32
    %scan3A_320 = arith.constant 32 : i32
    %scan3A_321 = arith.addi %scan3A_319, %scan3A_320 : i32
    %scan3A_322 = arith.constant 1 : i32
    %scan3A_323 = scf.for %scan3A_325 = %scan3A_319 to %scan3A_321 step %scan3A_322 iter_args(%scan3A_326 = %scan3A_318) -> (i32)  : i32 {
      %mul3A_327 = arith.constant 16 : i32
      %mul3A_328 = arith.muli %scan3A_325, %mul3A_327 : i32
      %mul3A_329 = arith.constant 16 : i32
      %mul3A_330 = arith.muli %scan3A_325, %mul3A_329 : i32
      %add3A_331 = vector.broadcast %mul3A_330 : i32 to vector<16xi32>
      %add3A_332 = arith.addi %add3A_331, %iota3A : vector<16xi32>
      %mul3A_333 = arith.constant 16 : i32
      %mul3A_334 = vector.broadcast %mul3A_333 : i32 to vector<16xi32>
      %mul3A_335 = arith.muli %add3A_332, %mul3A_334 : vector<16xi32>
      %gather3A = tpu.vector_load_idx %arg15[%mul3A_335] : memref<8192xf32, #tpu.memory_space<vmem>>[vector<16xi32>], vector<16xf32>,
      %add3A_336 = arith.constant 1 : i32
      %add3A_337 = vector.broadcast %add3A_336 : i32 to vector<16xi32>
      %add3A_338 = arith.addi %mul3A_335, %add3A_337 : vector<16xi32>
      %gather3A_339 = tpu.vector_load_idx %arg15[%add3A_338] : memref<8192xf32, #tpu.memory_space<vmem>>[vector<16xi32>], vector<16xf32>,
      %add3A_340 = arith.addf %gather3A, %gather3A_339 : vector<16xf32>
      %add3A_341 = arith.constant 2 : i32
      %add3A_342 = vector.broadcast %add3A_341 : i32 to vector<16xi32>
      %add3A_343 = arith.addi %mul3A_335, %add3A_342 : vector<16xi32>
      %gather3A_344 = tpu.vector_load_idx %arg15[%add3A_343] : memref<8192xf32, #tpu.memory_space<vmem>>[vector<16xi32>], vector<16xf32>,
      %add3A_345 = arith.addf %add3A_340, %gather3A_344 : vector<16xf32>
      %add3A_346 = arith.constant 3 : i32
      %add3A_347 = vector.broadcast %add3A_346 : i32 to vector<16xi32>
      %add3A_348 = arith.addi %mul3A_335, %add3A_347 : vector<16xi32>
      %gather3A_349 = tpu.vector_load_idx %arg15[%add3A_348] : memref<8192xf32, #tpu.memory_space<vmem>>[vector<16xi32>], vector<16xf32>,
      %add3A_350 = arith.addf %add3A_345, %gather3A_349 : vector<16xf32>
      %add3A_351 = arith.constant 4 : i32
      %add3A_352 = vector.broadcast %add3A_351 : i32 to vector<16xi32>
      %add3A_353 = arith.addi %mul3A_335, %add3A_352 : vector<16xi32>
      %gather3A_354 = tpu.vector_load_idx %arg15[%add3A_353] : memref<8192xf32, #tpu.memory_space<vmem>>[vector<16xi32>], vector<16xf32>,
      %add3A_355 = arith.addf %add3A_350, %gather3A_354 : vector<16xf32>
      %add3A_356 = arith.constant 5 : i32
      %add3A_357 = vector.broadcast %add3A_356 : i32 to vector<16xi32>
      %add3A_358 = arith.addi %mul3A_335, %add3A_357 : vector<16xi32>
      %gather3A_359 = tpu.vector_load_idx %arg15[%add3A_358] : memref<8192xf32, #tpu.memory_space<vmem>>[vector<16xi32>], vector<16xf32>,
      %add3A_360 = arith.addf %add3A_355, %gather3A_359 : vector<16xf32>
      %add3A_361 = arith.constant 6 : i32
      %add3A_362 = vector.broadcast %add3A_361 : i32 to vector<16xi32>
      %add3A_363 = arith.addi %mul3A_335, %add3A_362 : vector<16xi32>
      %gather3A_364 = tpu.vector_load_idx %arg15[%add3A_363] : memref<8192xf32, #tpu.memory_space<vmem>>[vector<16xi32>], vector<16xf32>,
      %add3A_365 = arith.addf %add3A_360, %gather3A_364 : vector<16xf32>
      %add3A_366 = arith.constant 7 : i32
      %add3A_367 = vector.broadcast %add3A_366 : i32 to vector<16xi32>
      %add3A_368 = arith.addi %mul3A_335, %add3A_367 : vector<16xi32>
      %gather3A_369 = tpu.vector_load_idx %arg15[%add3A_368] : memref<8192xf32, #tpu.memory_space<vmem>>[vector<16xi32>], vector<16xf32>,
      %add3A_370 = arith.addf %add3A_365, %gather3A_369 : vector<16xf32>
      %add3A_371 = arith.constant 8 : i32
      %add3A_372 = vector.broadcast %add3A_371 : i32 to vector<16xi32>
      %add3A_373 = arith.addi %mul3A_335, %add3A_372 : vector<16xi32>
      %gather3A_374 = tpu.vector_load_idx %arg15[%add3A_373] : memref<8192xf32, #tpu.memory_space<vmem>>[vector<16xi32>], vector<16xf32>,
      %add3A_375 = arith.addf %add3A_370, %gather3A_374 : vector<16xf32>
      %add3A_376 = arith.constant 9 : i32
      %add3A_377 = vector.broadcast %add3A_376 : i32 to vector<16xi32>
      %add3A_378 = arith.addi %mul3A_335, %add3A_377 : vector<16xi32>
      %gather3A_379 = tpu.vector_load_idx %arg15[%add3A_378] : memref<8192xf32, #tpu.memory_space<vmem>>[vector<16xi32>], vector<16xf32>,
      %add3A_380 = arith.addf %add3A_375, %gather3A_379 : vector<16xf32>
      %add3A_381 = arith.constant 10 : i32
      %add3A_382 = vector.broadcast %add3A_381 : i32 to vector<16xi32>
      %add3A_383 = arith.addi %mul3A_335, %add3A_382 : vector<16xi32>
      %gather3A_384 = tpu.vector_load_idx %arg15[%add3A_383] : memref<8192xf32, #tpu.memory_space<vmem>>[vector<16xi32>], vector<16xf32>,
      %add3A_385 = arith.addf %add3A_380, %gather3A_384 : vector<16xf32>
      %add3A_386 = arith.constant 11 : i32
      %add3A_387 = vector.broadcast %add3A_386 : i32 to vector<16xi32>
      %add3A_388 = arith.addi %mul3A_335, %add3A_387 : vector<16xi32>
      %gather3A_389 = tpu.vector_load_idx %arg15[%add3A_388] : memref<8192xf32, #tpu.memory_space<vmem>>[vector<16xi32>], vector<16xf32>,
      %add3A_390 = arith.addf %add3A_385, %gather3A_389 : vector<16xf32>
      %add3A_391 = arith.constant 12 : i32
      %add3A_392 = vector.broadcast %add3A_391 : i32 to vector<16xi32>
      %add3A_393 = arith.addi %mul3A_335, %add3A_392 : vector<16xi32>
      %gather3A_394 = tpu.vector_load_idx %arg15[%add3A_393] : memref<8192xf32, #tpu.memory_space<vmem>>[vector<16xi32>], vector<16xf32>,
      %add3A_395 = arith.addf %add3A_390, %gather3A_394 : vector<16xf32>
      %add3A_396 = arith.constant 13 : i32
      %add3A_397 = vector.broadcast %add3A_396 : i32 to vector<16xi32>
      %add3A_398 = arith.addi %mul3A_335, %add3A_397 : vector<16xi32>
      %gather3A_399 = tpu.vector_load_idx %arg15[%add3A_398] : memref<8192xf32, #tpu.memory_space<vmem>>[vector<16xi32>], vector<16xf32>,
      %add3A_400 = arith.addf %add3A_395, %gather3A_399 : vector<16xf32>
      %add3A_401 = arith.constant 14 : i32
      %add3A_402 = vector.broadcast %add3A_401 : i32 to vector<16xi32>
      %add3A_403 = arith.addi %mul3A_335, %add3A_402 : vector<16xi32>
      %gather3A_404 = tpu.vector_load_idx %arg15[%add3A_403] : memref<8192xf32, #tpu.memory_space<vmem>>[vector<16xi32>], vector<16xf32>,
      %add3A_405 = arith.addf %add3A_400, %gather3A_404 : vector<16xf32>
      %add3A_406 = arith.constant 15 : i32
      %add3A_407 = vector.broadcast %add3A_406 : i32 to vector<16xi32>
      %add3A_408 = arith.addi %mul3A_335, %add3A_407 : vector<16xi32>
      %gather3A_409 = tpu.vector_load_idx %arg15[%add3A_408] : memref<8192xf32, #tpu.memory_space<vmem>>[vector<16xi32>], vector<16xf32>,
      %add3A_410 = arith.addf %add3A_405, %gather3A_409 : vector<16xf32>
      %get3A = arith.index_cast %mul3A_328 : i32 to index
      %get3A_411 = tpu.vector_load %arg13[%get3A] {strides = array<i32>} : memref<512xf32, #tpu.memory_space<vmem>>, vector<16xf32>,
      %add3A_412 = arith.addf %add3A_410, %get3A_411 : vector<16xf32>
      %get3A_413 = arith.index_cast %mul3A_328 : i32 to index
      %get3A_414 = tpu.vector_load %arg14[%get3A_413] {strides = array<i32>} : memref<512xf32, #tpu.memory_space<vmem>>, vector<16xf32>,
      %add3A_415 = arith.addf %add3A_412, %get3A_414 : vector<16xf32>
      %neg3A = arith.constant 0.000000e+00 : f32
      %neg3A_416 = vector.broadcast %neg3A : f32 to vector<16xf32>
      %neg3A_417 = arith.subf %neg3A_416, %add3A_415 : vector<16xf32>
      %exp3A = math.exp %neg3A_417 : vector<16xf32>
      %add3A_418 = arith.constant 1.000000e+00 : f32
      %add3A_419 = vector.broadcast %add3A_418 : f32 to vector<16xf32>
      %add3A_420 = arith.addf %add3A_419, %exp3A : vector<16xf32>
      %div3A = arith.constant 1.000000e+00 : f32
      %div3A_421 = vector.broadcast %div3A : f32 to vector<16xf32>
      %div3A_422 = arith.divf %div3A_421, %add3A_420 : vector<16xf32>
      %swap3A = arith.index_cast %mul3A_328 : i32 to index
      %swap3A_423 = tpu.vector_load %arg16[%swap3A] {strides = array<i32>} : memref<512xf32, #tpu.memory_space<vmem>>, vector<16xf32>,
      tpu.vector_store %arg16[%swap3A], %div3A_422 {strides = array<i32>} : memref<512xf32, #tpu.memory_space<vmem>>, vector<16xf32>,
      %scan3A_424 = arith.constant 0 : i32
      scf.yield %scan3A_424 : i32
    }
    %scan3A_324 = arith.constant 32 : i32
    "tpu.region"() ({
      %run_scoped3A_325 = tpu.sem_alloc : memref<!tpu.dma_semaphore, #tpu.memory_space<semaphore_mem>>
      %dma_start3A_326 = tpu.memref_slice %arg8[%mul3A_2] : memref<16384xf32, #tpu.memory_space<hbm>> -> memref<512xf32, #tpu.memory_space<hbm>>
      %dma_start3A_327 = tpu.memref_slice %arg8[%mul3A_2] : memref<16384xf32, #tpu.memory_space<hbm>> -> memref<512xf32, #tpu.memory_space<hbm>>
      tpu.enqueue_dma source(%arg16 : memref<512xf32, #tpu.memory_space<vmem>>) target(%dma_start3A_327 : memref<512xf32, #tpu.memory_space<hbm>>) target_semaphore(%run_scoped3A_325 : memref<!tpu.dma_semaphore, #tpu.memory_space<semaphore_mem>>)
      %dma_wait3A_328 = tpu.memref_slice %arg8[%mul3A_2] : memref<16384xf32, #tpu.memory_space<hbm>> -> memref<512xf32, #tpu.memory_space<hbm>>
      %dma_wait3A_329 = tpu.memref_slice %arg8[%mul3A_2] : memref<16384xf32, #tpu.memory_space<hbm>> -> memref<512xf32, #tpu.memory_space<hbm>>
      tpu.wait_dma2 semaphore(%run_scoped3A_325 : memref<!tpu.dma_semaphore, #tpu.memory_space<semaphore_mem>>) src(%arg16 : memref<512xf32, #tpu.memory_space<vmem>>) dst(%dma_wait3A_329 : memref<512xf32, #tpu.memory_space<hbm>>)
      tpu.yield
    }) : () -> ()
    return
  }
}

</mosaic_0001>

<sc_bundles>
// kernel: _run.3.cloned.1.call-start
scs
__scs_entry_jumppad:
0x0: {  	(pc) =	sbr.rel $0x88, $3  }
0x1: {  	(tag) =	ssettag $0x0;
	lr =	simm.s32 $0x1  }
0x2: {  	[smem:$0x3F9B] =	sst lr;
	_ =	strace $0xD0000000  }
0x3: {  	_ = 	snop  }
0x4: {  	_ = 	snop  }
0x5: {  	_ = 	snop  }
0x6: {  	_ = 	snop  }
0x7: {  	_ = 	snop  }
__scs_overlays_trampoline_lowered:
0x8: {  	[smem:$0x3FAA] =	sst s0  }
0x9: {  	[smem:$0x3FAB] =	sst s1  }
0xa: {  	[smem:$0x3FAC] =	sst s2  }
0xb: {  	[smem:$0x3FAD] =	sst s3  }
0xc: {  	[smem:$0x3FAE] =	sst s4  }
0xd: {  	[smem:$0x3FAF] =	sst s5  }
0xe: {  	[smem:$0x3FB0] =	sst s6  }
0xf: {  	[smem:$0x3FB1] =	sst s7  }
0x10: {  	[smem:$0x3FB2] =	sst s8  }
0x11: {  	[smem:$0x3FB3] =	sst s9;
	s0 =	simm.s32 @!p0 $0x0  }
0x12: {  	s1 =	sld [smem:$0x3F99];
	s0 =	simm.s32 @p0 $0x1  }
0x13: {  	[smem:$0x3FB4] =	sst s0;
	s0 =	simm.s32 @!p1 $0x0  }
0x14: {  	s2 =	sld [smem:$0x3F98];
	s0 =	simm.s32 @p1 $0x1  }
0x15: {  	[smem:$0x3FB5] =	sst s0;
	s0 =	simm.s32 @!p2 $0x0  }
0x16: {  	s3 =	sld [smem:$0x3FDB];
	s0 =	simm.s32 @p2 $0x1  }
0x17: {  	s4 =	simm.s32 $0x1BF5;
	[smem:$0x3FB7] =	sst s0  }
0x18: {  	s0 =	sld [smem:$0x3F9A];
	_ =	swait.ge [sflag:s4], $0x0  }
0x19: {  	s7 =	sld [smem:$0x3F9B]  }
0x1a: {  	s8 =	sadd.s32 $0xFFFFE003, lr  }
0x1b: {  	s9 =	sadd.s32 $0xFFFFFEF7, lr;
	s5 =	simm.s32 $0xFFFFFFFF;
	p2 =	slt.u32 s8, $0xFFFFF086  }
0x1c: {  	p1 =	slt.u32 s9, $0xF7A;
	s5 =	simm.s32 @!p2 $0x0  }
0x1d: {  	s5 =	simm.s32 @p1 $0x1;
	p0 =	seq.s32 s7, s2  }
0x1e: {  	s7 =	smul.u32 @!p0 $0xF7A, s2;
	p2 =	seq.s32 @!p0 s5, $0x0  }
0x1f: {  	s9 =	smul.u32 $0xF7A, s1;
	s8 =	simm.s32 @!p0 $0x1BF5;
	p2 =	por !p2, p0  }
0x20: {  	[sflag:s8] =	ssyncset.s32 @!p0 $0xFFFFF086;
	s6 =	sadd.s32 @!p0 s3, s7;
	s7 =	simm.s32 @!p0 $0x108  }
0x21: {  	s3 =	sadd.s32 s3, s9;
	s6 =	sadd.s32 @!p0 $0x88, s6;
	s7 =	simm.s32 @p2 $0x1082  }
0x22: {  	[simem:s7], [sflag:s8] =	dma.local @!p0 [hbm:s6], $0xF7A  }
0x23: {  	s9 =	sor.u32 $0xD0000000, s2;
	s6 =	simm.s32 $0x108;
	_ =	swait.ge @!p0 [sflag:s8], $0x0  }
0x24: {  	s3 =	sadd.s32 $0x88, s3;
	s6 =	simm.s32 @!p1 $0x1082;
	[sflag:s4] =	ssyncset.s32 $0xFFFFF086  }
0x25: {  	[simem:s6], [sflag:s4] =	dma.local [hbm:s3], $0xF7A  }
0x26: {  	[smem:$0x3F9B] =	sst s1;
	(tag) =	ssettag s2;
	_ =	strace s9  }
0x27: {  	s1 =	sld [smem:$0x3FAB]  }
0x28: {  	s2 =	sld [smem:$0x3FAC]  }
0x29: {  	s4 =	sld [smem:$0x3FAE]  }
0x2a: {  	p0 =	seq.s32 s5, $0x0;
	s5 =	sld [smem:$0x3FAF]  }
0x2b: {  	s6 =	sld [smem:$0x3FB0]  }
0x2c: {  	s7 =	sld [smem:$0x3FB1]  }
0x2d: {  	s3 =	simm.s32 $0x108;
	s8 =	sld [smem:$0x3FB2]  }
0x2e: {  	s3 =	simm.s32 @!p0 $0x1082;
	s9 =	sld [smem:$0x3FB3]  }
0x2f: {  	lr =	sadd.s32 s0, s3;
	s0 =	sld [smem:$0x3FAA]  }
0x30: {  	s3 =	sld [smem:$0x3FAD]  }
0x31: {  	[smem:$0x3FB6] =	sst s10  }
0x32: {  	s10 =	sld [smem:$0x3FB4];
	_ =	sdelay $0x3  }
0x33: {  	p0 =	seq.s32 s10, $0x1;
	s10 =	sld [smem:$0x3FB6];
	_ =	sdelay $0x3  }
0x34: {  	[smem:$0x3FB6] =	sst s10  }
0x35: {  	s10 =	sld [smem:$0x3FB5];
	_ =	sdelay $0x3  }
0x36: {  	p1 =	seq.s32 s10, $0x1;
	s10 =	sld [smem:$0x3FB6];
	_ =	sdelay $0x3  }
0x37: {  	[smem:$0x3FB6] =	sst s10  }
0x38: {  	s10 =	sld [smem:$0x3FB7]  }
0x39: {  	_ = 	snop;
	(pc) =	sbr.ind lr, $3  }
0x3a: {  	_ = 	snop  }
0x3b: {  	_ = 	snop  }
0x3c: {  	p2 =	seq.s32 s10, $0x1;
	s10 =	sld [smem:$0x3FB6]  }
0x3d: {  	_ =	shalt  }
0x3e: {  	_ =	shalt  }
0x3f: {  	_ =	shalt  }
0x40: {  	_ =	shalt  }
0x41: {  	_ =	shalt  }
0x42: {  	_ =	shalt  }
0x43: {  	_ =	shalt  }
0x44: {  	_ =	shalt  }
0x45: {  	_ =	shalt  }
0x46: {  	_ =	shalt  }
0x47: {  	_ =	shalt  }
0x48: {  	_ =	shalt  }
0x49: {  	_ =	shalt  }
0x4a: {  	_ =	shalt  }
0x4b: {  	_ =	shalt  }
0x4c: {  	_ =	shalt  }
0x4d: {  	_ =	shalt  }
0x4e: {  	_ =	shalt  }
0x4f: {  	_ =	shalt  }
0x50: {  	_ =	shalt  }
0x51: {  	_ =	shalt  }
0x52: {  	_ =	shalt  }
0x53: {  	_ =	shalt  }
0x54: {  	_ =	shalt  }
0x55: {  	_ =	shalt  }
0x56: {  	_ =	shalt  }
0x57: {  	_ =	shalt  }
0x58: {  	_ =	shalt  }
0x59: {  	_ =	shalt  }
0x5a: {  	_ =	shalt  }
0x5b: {  	_ =	shalt  }
0x5c: {  	_ =	shalt  }
0x5d: {  	_ =	shalt  }
0x5e: {  	_ =	shalt  }
0x5f: {  	_ =	shalt  }
0x60: {  	_ =	shalt  }
0x61: {  	_ =	shalt  }
0x62: {  	_ =	shalt  }
0x63: {  	_ =	shalt  }
0x64: {  	_ =	shalt  }
0x65: {  	_ =	shalt  }
0x66: {  	_ =	shalt  }
0x67: {  	_ =	shalt  }
0x68: {  	_ =	shalt  }
0x69: {  	_ =	shalt  }
0x6a: {  	_ =	shalt  }
0x6b: {  	_ =	shalt  }
0x6c: {  	_ =	shalt  }
0x6d: {  	_ =	shalt  }
0x6e: {  	_ =	shalt  }
0x6f: {  	_ =	shalt  }
0x70: {  	_ =	shalt  }
0x71: {  	_ =	shalt  }
0x72: {  	_ =	shalt  }
0x73: {  	_ =	shalt  }
0x74: {  	_ =	shalt  }
0x75: {  	_ =	shalt  }
0x76: {  	_ =	shalt  }
0x77: {  	_ =	shalt  }
0x78: {  	_ =	shalt  }
0x79: {  	_ =	shalt  }
0x7a: {  	_ =	shalt  }
0x7b: {  	_ =	shalt  }
0x7c: {  	_ =	shalt  }
0x7d: {  	_ =	shalt  }
0x7e: {  	_ =	shalt  }
0x7f: {  	_ =	shalt  }
0x80: {  	_ =	shalt  }
0x81: {  	_ =	shalt  }
0x82: {  	_ =	shalt  }
0x83: {  	_ =	shalt  }
0x84: {  	_ =	shalt  }
0x85: {  	_ =	shalt  }
0x86: {  	_ =	shalt  }
0x87: {  	_ =	shalt  }
.Lfunc_end0:
.L_simem_size_0:
called_computation_lowered:
.L_overlay_start_0:
0x88: {  	s2 =	sld [smem:$0x3FD9]  }
0x89: {  	s3 =	sld [smem:$0x3FFE];
	_ =	sdelay $0x1  }
0x8a: {  	s1 =	srdreg.scid  }
0x8b: {  	s0 =	sand.u32 $0x1, s1  }
0x8c: {  	s17 =	sshll.u32 s0, $0xA;
	s2 =	sadd.s32 s3, s2  }
0x8d: {  	s2 =	sadd.s32 s2, s17  }
0x8e: {  	[smem:$0x3FC2] =	sst s2  }
0x8f: {  	_ = 	snop  }
0x90: {  	s2 =	sld [smem:$0x3FC9]  }
0x91: {  	s18 =	sld [smem:$0x3FC8]  }
0x92: {  	s4 =	sld [smem:$0x3FC6]  }
0x93: {  	s5 =	sld [smem:$0x3FC4]  }
0x94: {  	s6 =	sld [smem:$0x3FD0];
	(tm) =	ssettm $0x1  }
0x95: {  	s7 =	sld [smem:$0x3FFB];
	_ =	sdelay $0x3  }
0x96: {  	_ =	strace s7  }
0x97: {  	s7 =	sld [smem:$0x3FFC];
	_ =	sdelay $0x3  }
0x98: {  	_ =	strace s7  }
0x99: {  	s7 =	sld [smem:$0x3FFD];
	_ =	sdelay $0x3  }
0x9a: {  	_ =	strace s7  }
0x9b: {  	_ =	strace $0x8FFFFFFF  }
0x9c: {  	s19 =	sld [smem:$0x3FDB];
	_ =	sdelay $0x1  }
0x9d: {  	s8 =	simm.s32 $_scs_section_size  }
0x9e: {  	s9 =	simm.s32 $_size__tile_overlayer_lowered;
	s10 =	simm.s32 $_tile_overlayer_lowered  }
0x9f: {  	s22 =	simm.s32 $0x1BFF;
	s21 =	sshll.u32 s10, $0x1;
	s7 =	sadd.s32 s8, s19  }
0xa0: {  	s11 =	simm.s32 $0x0;
	s20 =	sshll.u32 s9, $0x1;
	s9 =	sadd.s32 s21, s7  }
0xa1: {  	[timem:s11], [sflag:s22] =	dma.local [hbm:s9], s20  }
0xa2: {  	_ =	swait.ge [sflag:s22], s20  }
0xa3: {  	s8 =	ssub.s32 $0x0, s20;
	[sflag:s22] =	ssyncset.done $0x0  }
0xa4: {  	[sflag:s22] =	ssyncadd.s32 s8;
	_ =	sdelay $0x1  }
0xa5: {  	s23 =	simm.s32 $0x1B8B  }
0xa6: {  	_ =	swait.ge [sflag:s23], $0x1  }
0xa7: {  	[sflag:s23] =	ssyncset.done $0x0  }
0xa8: {  	s25 =	simm.s32 $0x1B8E;
	s24 =	sld [smem:$0x3FFE];
	[sflag:s23] =	ssyncadd.s32 $0xFFFFFFFF  }
0xa9: {  	s26 =	simm.s32 $execute0_lowered;
	[smem:$0x3FD2] =	sst s25  }
0xaa: {  	s9 =	sshll.u32 s26, $0x1;
	_ =	strace $0x80000046;
	[dreg:$0x1] =	wrdreg $0xFFFFFFFF  }
0xab: {  	s28 =	simm.s32 $_size_execute0_lowered;
	s7 =	sadd.s32 s7, s9;
	[dreg:$0x0] =	wrdreg $0x0  }
0xac: {  	s9 =	sshll.u32 s28, $0x1;
	[dreg:$0x2] =	wrdreg s7  }
0xad: {  	[dreg:$0x3] =	wrdreg s9  }
0xae: {  	[dreg:$0x4] =	wrdreg $0xC0  }
0xaf: {  	_ =	task [dreg:s11], $0x5FFFF  }
0xb0: {  	[dreg:$0x1] =	wrdreg $0xFFFFFFFF  }
0xb1: {  	[dreg:$0x0] =	wrdreg $0x60  }
0xb2: {  	[dreg:$0x2] =	wrdreg s2  }
0xb3: {  	[dreg:$0x3] =	wrdreg s18  }
0xb4: {  	[dreg:$0x4] =	wrdreg s24  }
0xb5: {  	[dreg:$0x5] =	wrdreg s4  }
0xb6: {  	[dreg:$0x6] =	wrdreg s5  }
0xb7: {  	[dreg:$0x7] =	wrdreg s6  }
0xb8: {  	[dreg:$0x8] =	wrdreg $0x9  }
0xb9: {  	_ =	task.clear_ibuf [dreg:s11], $0x9FFFF;
	_ =	strace $0x90000046  }
0xba: {  	s29 =	simm.s32 $0x9;
	_ =	strace $0x80000048  }
0xbb: {  	_ =	swait.ge [sflag:s29], $0x1  }
0xbc: {  	[sflag:s29] =	ssyncadd.s32 $0xFFFFFFFF  }
0xbd: {  	_ =	strace $0x90000048  }
0xbe: {  	_ =	sfence  }
0xbf: {  	s30 =	sld [smem:$0x0];
	_ =	sdelay $0x2  }
0xc0: {  	s31 =	sshll.u32 s1, $0xD;
	s1 =	sshrl.u32 s1, $0x2  }
0xc1: {  	s3 =	sand.u32 $0x4000, s31;
	s1 =	sadd.s32 s1, s30  }
0xc2: {  	s0 =	sor.u32 s3, s0;
	s1 =	sshll.u32 s1, $0x11  }
0xc3: {  	s0 =	sor.u32 s1, s0  }
0xc4: {  	s0 =	sadd.s32 $0x8F2B, s0  }
0xc5: {  	[sflag:s0] =	ssyncadd.remote.s32 $0x1  }
0xc6: {  	_ =	sfence.sel $0xFFFF  }
0xc7: {  	[dreg:$0x0] =	wrdreg $0xFFFFFFFF;
	(pc) =	sbr.abs _section_cstart, $3  }
0xc8: {  	[dreg:$0x1] =	wrdreg $0xFFFFFFFF  }
0xc9: {  	_ =	task.clear_ibuf [dreg:s11], $0x2FFFF;
	_ =	strace $0x9FFFFFFF  }
0xca: {  	(tm) =	ssettm $0x7FFFFFFF  }
0xcb: {  	_ =	shalt  }
tec
execute0_lowered:
.L_overlay_start_1:
0x0: {  	(tag) =	ssettag $0x1  }
0x1: {  	s0 =	rddreg [dreg:$0x0]  }
0x2: {  	s4 =	rddreg [dreg:$0x1]  }
0x3: {  	s6 =	rddreg [dreg:$0x2]  }
0x4: {  	s1 =	rddreg [dreg:$0x3]  }
0x5: {  	s2 =	rddreg [dreg:$0x4]  }
0x6: {  	s15 =	rddreg [dreg:$0x5]  }
0x7: {  	s3 =	simm.s32 $0x0;
	s7 =	srdreg.scid;
	s9 =	stileid.u32  }
0x8: {  	s18 =	simm.s32 $0x200;
	s19 =	simm.s32 $0x80;
	s20 =	simm.s32 $0x280  }
0x9: {  	s21 =	simm.s32 $0x100;
	s22 =	simm.s32 $0x300;
	s23 =	simm.s32 $0x180  }
0xa: {  	s24 =	simm.s32 $0x380;
	s25 =	simm.s32 $0x1;
	s26 =	simm.s32 $0x10800  }
0xb: {  	s28 =	simm.s32 $0x12800;
	s29 =	simm.s32 $0x0;
	[smem:$0x7FF] =	sst s3  }
0xc: {  	s5 =	sadd.s32 $0xF42800, s6;
	s7 =	sand.u32 $0x1, s7;
	s9 =	sshll.u32 s9, $0x7  }
0xd: {  	s6 =	sadd.s32 $0x16E3A00, s6;
	s8 =	ssub.s32 $0x2, s7;
	s7 =	sshll.u32 s7, $0x6  }
0xe: {  	_ =	strace $0x80000047;
	s10 =	sshrl.u32 s8, $0x1;
	s16 =	sor.u32 s7, s9  }
0xf: {  	s17 =	ssub.s32 s8, s10;
	s7 =	sadd.s32 s0, s16;
	s31 =	sor.u32 $0x10, s16  }
0x10: {  	s8 =	sadd.s32 s4, s16;
	s12 =	sor.u32 $0x20, s16;
	s14 =	sor.u32 $0x30, s16  }
0x11: {  	v0 =	vlaneseq.u32;
	s15 =	sadd.s32 s15, s16;
	s9 =	sadd.s32 s0, s31;
	s10 =	sadd.s32 s4, s31  }
0x12: {  	v0 =	vmul.u32 $0x10, v0;
	s11 =	sadd.s32 s0, s12;
	s12 =	sadd.s32 s4, s12;
	s13 =	sadd.s32 s0, s14  }
0x13: {  	s14 =	sadd.s32 s4, s14;
	s16 =	smax.u32 s17, $0x1;
	s17 =	simm.s32 $0x2  }
.LBB2_1:
0x14: {  	[tilespmem:s3], [sflag:$0x2] =	stream.linear.gather [hbm4b:s7+s3], $0x80, $0x38;
	[tilespmem:$0x12A00] =	vst v63  }
0x15: {  	_ =	swait.ge [sflag:s17], $0x80  }
0x16: {  	[sflag:s17] =	ssyncset.done $0x0  }
0x17: {  	[sflag:s17] =	ssyncadd.s32 $0xFFFFFF80  }
0x18: {  	[tilespmem:s18], [sflag:$0x2] =	stream.linear.gather [hbm4b:s8+s3], $0x80, $0x38;
	[tilespmem:$0x12A00] =	vst v63  }
0x19: {  	_ =	swait.ge [sflag:s17], $0x80  }
0x1a: {  	[sflag:s17] =	ssyncset.done $0x0  }
0x1b: {  	[sflag:s17] =	ssyncadd.s32 $0xFFFFFF80  }
0x1c: {  	[tilespmem:s19], [sflag:$0x2] =	stream.linear.gather [hbm4b:s9+s3], $0x80, $0x38;
	[tilespmem:$0x12A00] =	vst v63  }
0x1d: {  	_ =	swait.ge [sflag:s17], $0x80  }
0x1e: {  	[sflag:s17] =	ssyncset.done $0x0  }
0x1f: {  	[sflag:s17] =	ssyncadd.s32 $0xFFFFFF80  }
0x20: {  	[tilespmem:s20], [sflag:$0x2] =	stream.linear.gather [hbm4b:s10+s3], $0x80, $0x38;
	[tilespmem:$0x12A00] =	vst v63  }
0x21: {  	_ =	swait.ge [sflag:s17], $0x80  }
0x22: {  	[sflag:s17] =	ssyncset.done $0x0  }
0x23: {  	[sflag:s17] =	ssyncadd.s32 $0xFFFFFF80  }
0x24: {  	[tilespmem:s21], [sflag:$0x2] =	stream.linear.gather [hbm4b:s11+s3], $0x80, $0x38;
	[tilespmem:$0x12A00] =	vst v63  }
0x25: {  	_ =	swait.ge [sflag:s17], $0x80  }
0x26: {  	[sflag:s17] =	ssyncset.done $0x0  }
0x27: {  	[sflag:s17] =	ssyncadd.s32 $0xFFFFFF80  }
0x28: {  	[tilespmem:s22], [sflag:$0x2] =	stream.linear.gather [hbm4b:s12+s3], $0x80, $0x38;
	[tilespmem:$0x12A00] =	vst v63  }
0x29: {  	_ =	swait.ge [sflag:s17], $0x80  }
0x2a: {  	[sflag:s17] =	ssyncset.done $0x0  }
0x2b: {  	[sflag:s17] =	ssyncadd.s32 $0xFFFFFF80  }
0x2c: {  	[tilespmem:s23], [sflag:$0x2] =	stream.linear.gather [hbm4b:s13+s3], $0x80, $0x38;
	[tilespmem:$0x12A00] =	vst v63  }
0x2d: {  	_ =	swait.ge [sflag:s17], $0x80  }
0x2e: {  	[sflag:s17] =	ssyncset.done $0x0  }
0x2f: {  	[sflag:s17] =	ssyncadd.s32 $0xFFFFFF80  }
0x30: {  	[tilespmem:s24], [sflag:$0x2] =	stream.linear.gather [hbm4b:s14+s3], $0x80, $0x38;
	[tilespmem:$0x12A00] =	vst v63  }
0x31: {  	_ =	swait.ge [sflag:s17], $0x80  }
0x32: {  	[sflag:s17] =	ssyncset.done $0x0  }
0x33: {  	s0 =	simm.s32 $0x400;
	[sflag:s17] =	ssyncadd.s32 $0xFFFFFF80  }
0x34: {  	[tilespmem:s0], [sflag:$0x1] =	stream.indirect.gather [hbm4b:s5+s19], $0x40, s3, s19, $0xb8;
	[tilespmem:$0x12A00] =	vst v63  }
0x35: {  	s4 =	simm.s32 $0x8400  }
0x36: {  	[tilespmem:s4], [sflag:$0x1] =	stream.indirect.gather [hbm4b:s6+s19], $0x40, s18, s19, $0xb8;
	[tilespmem:$0x12A00] =	vst v63  }
0x37: {  	s31 =	simm.s32 $0x10400  }
0x38: {  	[tilespmem:s31], [sflag:$0x1] =	stream.indirect.gather [hbm4b:s1+s19], $0x1, s3, s19, $0xb8;
	[tilespmem:$0x12A00] =	vst v63  }
0x39: {  	s4 =	simm.s32 $0x10600  }
0x3a: {  	[tilespmem:s4], [sflag:$0x1] =	stream.indirect.gather [hbm4b:s2+s19], $0x1, s18, s19, $0xb8;
	[tilespmem:$0x12A00] =	vst v63  }
0x3b: {  	s31 =	simm.s32 $0x2400  }
0x3c: {  	[tilespmem:s31], [sflag:$0x1] =	stream.indirect.gather [hbm4b:s5+s19], $0x40, s19, s19, $0xb8;
	[tilespmem:$0x12A00] =	vst v63  }
0x3d: {  	s4 =	simm.s32 $0xA400  }
0x3e: {  	[tilespmem:s4], [sflag:$0x1] =	stream.indirect.gather [hbm4b:s6+s19], $0x40, s20, s19, $0xb8;
	[tilespmem:$0x12A00] =	vst v63  }
0x3f: {  	s31 =	simm.s32 $0x10480  }
0x40: {  	[tilespmem:s31], [sflag:$0x1] =	stream.indirect.gather [hbm4b:s1+s19], $0x1, s19, s19, $0xb8;
	[tilespmem:$0x12A00] =	vst v63  }
0x41: {  	s4 =	simm.s32 $0x10680  }
0x42: {  	[tilespmem:s4], [sflag:$0x1] =	stream.indirect.gather [hbm4b:s2+s19], $0x1, s20, s19, $0xb8;
	[tilespmem:$0x12A00] =	vst v63  }
0x43: {  	s31 =	simm.s32 $0x4400  }
0x44: {  	[tilespmem:s31], [sflag:$0x1] =	stream.indirect.gather [hbm4b:s5+s19], $0x40, s21, s19, $0xb8;
	[tilespmem:$0x12A00] =	vst v63  }
0x45: {  	s4 =	simm.s32 $0xC400  }
0x46: {  	[tilespmem:s4], [sflag:$0x1] =	stream.indirect.gather [hbm4b:s6+s19], $0x40, s22, s19, $0xb8;
	[tilespmem:$0x12A00] =	vst v63  }
0x47: {  	s31 =	simm.s32 $0x10500  }
0x48: {  	[tilespmem:s31], [sflag:$0x1] =	stream.indirect.gather [hbm4b:s1+s19], $0x1, s21, s19, $0xb8;
	[tilespmem:$0x12A00] =	vst v63  }
0x49: {  	s4 =	simm.s32 $0x10700  }
0x4a: {  	[tilespmem:s4], [sflag:$0x1] =	stream.indirect.gather [hbm4b:s2+s19], $0x1, s22, s19, $0xb8;
	[tilespmem:$0x12A00] =	vst v63  }
0x4b: {  	s31 =	simm.s32 $0x6400  }
0x4c: {  	[tilespmem:s31], [sflag:$0x1] =	stream.indirect.gather [hbm4b:s5+s19], $0x40, s23, s19, $0xb8;
	[tilespmem:$0x12A00] =	vst v63  }
0x4d: {  	s4 =	simm.s32 $0xE400  }
0x4e: {  	[tilespmem:s4], [sflag:$0x1] =	stream.indirect.gather [hbm4b:s6+s19], $0x40, s24, s19, $0xb8;
	[tilespmem:$0x12A00] =	vst v63  }
0x4f: {  	s31 =	simm.s32 $0x10580  }
0x50: {  	[tilespmem:s31], [sflag:$0x1] =	stream.indirect.gather [hbm4b:s1+s19], $0x1, s23, s19, $0xb8;
	[tilespmem:$0x12A00] =	vst v63  }
0x51: {  	s4 =	simm.s32 $0x10780  }
0x52: {  	[tilespmem:s4], [sflag:$0x1] =	stream.indirect.gather [hbm4b:s2+s19], $0x1, s24, s19, $0xb8;
	[tilespmem:$0x12A00] =	vst v63  }
0x53: {  	_ =	swait.ge [sflag:s25], $0x2000  }
0x54: {  	[sflag:s25] =	ssyncset.done $0x0  }
0x55: {  	[sflag:s25] =	ssyncadd.s32 $0xFFFFE000  }
0x56: {  	_ =	swait.ge [sflag:s25], $0x2000  }
0x57: {  	[sflag:s25] =	ssyncset.done $0x0  }
0x58: {  	[sflag:s25] =	ssyncadd.s32 $0xFFFFE000  }
0x59: {  	_ =	swait.ge [sflag:s25], $0x80  }
0x5a: {  	[sflag:s25] =	ssyncset.done $0x0  }
0x5b: {  	[sflag:s25] =	ssyncadd.s32 $0xFFFFFF80  }
0x5c: {  	_ =	swait.ge [sflag:s25], $0x80  }
0x5d: {  	[sflag:s25] =	ssyncset.done $0x0  }
0x5e: {  	[sflag:s25] =	ssyncadd.s32 $0xFFFFFF80  }
0x5f: {  	_ =	swait.ge [sflag:s25], $0x2000  }
0x60: {  	[sflag:s25] =	ssyncset.done $0x0  }
0x61: {  	[sflag:s25] =	ssyncadd.s32 $0xFFFFE000  }
0x62: {  	_ =	swait.ge [sflag:s25], $0x2000  }
0x63: {  	[sflag:s25] =	ssyncset.done $0x0  }
0x64: {  	[sflag:s25] =	ssyncadd.s32 $0xFFFFE000  }
0x65: {  	_ =	swait.ge [sflag:s25], $0x80  }
0x66: {  	[sflag:s25] =	ssyncset.done $0x0  }
0x67: {  	[sflag:s25] =	ssyncadd.s32 $0xFFFFFF80  }
0x68: {  	_ =	swait.ge [sflag:s25], $0x80  }
0x69: {  	[sflag:s25] =	ssyncset.done $0x0  }
0x6a: {  	[sflag:s25] =	ssyncadd.s32 $0xFFFFFF80  }
0x6b: {  	_ =	swait.ge [sflag:s25], $0x2000  }
0x6c: {  	[sflag:s25] =	ssyncset.done $0x0  }
0x6d: {  	[sflag:s25] =	ssyncadd.s32 $0xFFFFE000  }
0x6e: {  	_ =	swait.ge [sflag:s25], $0x2000  }
0x6f: {  	[sflag:s25] =	ssyncset.done $0x0  }
0x70: {  	[sflag:s25] =	ssyncadd.s32 $0xFFFFE000  }
0x71: {  	_ =	swait.ge [sflag:s25], $0x80  }
0x72: {  	[sflag:s25] =	ssyncset.done $0x0  }
0x73: {  	[sflag:s25] =	ssyncadd.s32 $0xFFFFFF80  }
0x74: {  	_ =	swait.ge [sflag:s25], $0x80  }
0x75: {  	[sflag:s25] =	ssyncset.done $0x0  }
0x76: {  	[sflag:s25] =	ssyncadd.s32 $0xFFFFFF80  }
0x77: {  	_ =	swait.ge [sflag:s25], $0x2000  }
0x78: {  	[sflag:s25] =	ssyncset.done $0x0  }
0x79: {  	[sflag:s25] =	ssyncadd.s32 $0xFFFFE000  }
0x7a: {  	_ =	swait.ge [sflag:s25], $0x2000  }
0x7b: {  	[sflag:s25] =	ssyncset.done $0x0  }
0x7c: {  	[sflag:s25] =	ssyncadd.s32 $0xFFFFE000  }
0x7d: {  	_ =	swait.ge [sflag:s25], $0x80  }
0x7e: {  	[sflag:s25] =	ssyncset.done $0x0  }
0x7f: {  	[sflag:s25] =	ssyncadd.s32 $0xFFFFFF80  }
0x80: {  	_ =	swait.ge [sflag:s25], $0x80  }
0x81: {  	[sflag:s25] =	ssyncset.done $0x0  }
0x82: {  	s31 =	simm.s32 $0x0;
	[sflag:s25] =	ssyncadd.s32 $0xFFFFFF80  }
0x83: {  	v1 =	vld [tilespmem:s31+$0x8400]  }
0x84: {  	v2 =	vld [tilespmem:s31+$0x400]  }
0x85: {  	v3 =	vld [tilespmem:s31+$0x410]  }
0x86: {  	v4 =	vld [tilespmem:s31+$0x8410]  }
0x87: {  	v5 =	vld [tilespmem:s31+$0x420]  }
0x88: {  	v6 =	vld [tilespmem:s31+$0x8420]  }
0x89: {  	v7 =	vld [tilespmem:s31+$0x430]  }
0x8a: {  	v8 =	vld [tilespmem:s31+$0x8430]  }
0x8b: {  	v1 =	vmul.f32 v1, v2;
	v2 =	vmul.f32 v4, v3;
	_ =	sdelay $0x1  }
0x8c: {  	v1 =	vadd.f32 v2, v1;
	v2 =	vmul.f32 v6, v5;
	_ =	sdelay $0x1  }
0x8d: {  	v1 =	vadd.f32 v2, v1;
	v2 =	vmul.f32 v8, v7;
	_ =	sdelay $0x1  }
0x8e: {  	v1 =	vadd.f32 v2, v1;
	_ =	sdelay $0x1  }
0x8f: {  	s30 =	simm.s32 $0x40;
	[tilespmem:s26+$0x0] =	vst v1  }
0x90: {  	v1 =	vld [tilespmem:s30+$0x8400]  }
0x91: {  	v2 =	vld [tilespmem:s30+$0x400]  }
0x92: {  	s0 =	simm.s32 $0x10800;
	s4 =	simm.s32 $0x200;
	v3 =	vld [tilespmem:s30+$0x410]  }
.LBB2_2:
0x93: {  	p0 =	sne.s32 s4, $0x1FF00;
	v4 =	vld [tilespmem:s30+$0x8410]  }
0x94: {  	v5 =	vld [tilespmem:s30+$0x420]  }
0x95: {  	v6 =	vld [tilespmem:s30+$0x8420]  }
0x96: {  	v7 =	vld [tilespmem:s30+$0x430]  }
0x97: {  	v8 =	vld [tilespmem:s30+$0x8430]  }
0x98: {  	v1 =	vmul.f32 v1, v2;
	v2 =	vmul.f32 v4, v3;
	_ =	sdelay $0x1  }
0x99: {  	v1 =	vadd.f32 v2, v1;
	v2 =	vmul.f32 v6, v5;
	_ =	sdelay $0x1  }
0x9a: {  	v1 =	vadd.f32 v2, v1;
	v2 =	vmul.f32 v8, v7;
	_ =	sdelay $0x1  }
0x9b: {  	v1 =	vadd.f32 v2, v1  }
.Ltmp0:
0x9c: {  	s0 =	sadd.s32 $0x10, s0;
	(pc) =	sbr.rel @p0 .LBB2_2-.Ltmp0, $4  }
0x9d: {  	s30 =	sshra.s32 s4, $0x2;
	[tilespmem:s0+$0x0] =	vst v1  }
0x9e: {  	v1 =	vld [tilespmem:s30+$0x8400]  }
0x9f: {  	v2 =	vld [tilespmem:s30+$0x400]  }
0xa0: {  	s4 =	sadd.s32 $0x100, s4;
	v3 =	vld [tilespmem:s30+$0x410]  }
0xa1: {  	v4 =	vld [tilespmem:s30+$0x8410]  }
0xa2: {  	v5 =	vld [tilespmem:s30+$0x420]  }
0xa3: {  	v6 =	vld [tilespmem:s30+$0x8420]  }
0xa4: {  	v7 =	vld [tilespmem:s30+$0x430]  }
0xa5: {  	v8 =	vld [tilespmem:s30+$0x8430]  }
0xa6: {  	s4 =	simm.s32 $0x0;
	v1 =	vmul.f32 v1, v2;
	v2 =	vmul.f32 v4, v3  }
0xa7: {  	v3 =	vmov s4  }
0xa8: {  	v3 =	vshll.u32 v3, $0x4;
	v1 =	vadd.f32 v2, v1;
	v2 =	vmul.f32 v6, v5  }
0xa9: {  	v3 =	vor.u32 v0, v3  }
0xaa: {  	v20 =	vor.u32 $0x1, v3;
	v1 =	vadd.f32 v2, v1;
	v2 =	vmul.f32 v8, v7;
	_ =	sdelay $0x1  }
0xab: {  	v1 =	vadd.f32 v2, v1  }
0xac: {  	s0 =	sadd.s32 $0x10, s0;
	v2 =	vor.u32 $0x2, v3  }
0xad: {  	[tilespmem:s0+$0x0] =	vst v1  }
0xae: {  	v21 =	vor.u32 $0x3, v3;
	v1 =	vld.idx.msk [tilespmem:v20+s26+$0x0], $0xffff  }
0xaf: {  	v22 =	vld.idx.msk [tilespmem:v3+s26+$0x0], $0xffff  }
0xb0: {  	v23 =	vor.u32 $0x4, v3  }
0xb1: {  	v2 =	vld.idx.msk [tilespmem:v2+s26+$0x0], $0xffff  }
0xb2: {  	v24 =	vor.u32 $0x5, v3  }
0xb3: {  	v4 =	vld.idx.msk [tilespmem:v21+s26+$0x0], $0xffff  }
0xb4: {  	v25 =	vor.u32 $0x6, v3;
	v1 =	vadd.f32 v1, v22  }
0xb5: {  	v26 =	vld.idx.msk [tilespmem:v23+s26+$0x0], $0xffff  }
0xb6: {  	v27 =	vor.u32 $0x7, v3;
	v1 =	vadd.f32 v2, v1  }
0xb7: {  	v2 =	vld.idx.msk [tilespmem:v24+s26+$0x0], $0xffff  }
0xb8: {  	v28 =	vor.u32 $0x8, v3;
	v1 =	vadd.f32 v4, v1  }
0xb9: {  	v29 =	vld.idx.msk [tilespmem:v25+s26+$0x0], $0xffff  }
0xba: {  	v30 =	vor.u32 $0x9, v3;
	v1 =	vadd.f32 v26, v1  }
0xbb: {  	v31 =	vld.idx.msk [tilespmem:v27+s26+$0x0], $0xffff  }
0xbc: {  	v32 =	vor.u32 $0xA, v3;
	v1 =	vadd.f32 v2, v1  }
0xbd: {  	v2 =	vld.idx.msk [tilespmem:v28+s26+$0x0], $0xffff  }
0xbe: {  	v33 =	vor.u32 $0xB, v3;
	v1 =	vadd.f32 v29, v1  }
0xbf: {  	v34 =	vld.idx.msk [tilespmem:v30+s26+$0x0], $0xffff  }
0xc0: {  	v35 =	vor.u32 $0xC, v3;
	v1 =	vadd.f32 v31, v1  }
0xc1: {  	v36 =	vld.idx.msk [tilespmem:v32+s26+$0x0], $0xffff  }
0xc2: {  	v37 =	vor.u32 $0xD, v3;
	v1 =	vadd.f32 v2, v1  }
0xc3: {  	v2 =	vld.idx.msk [tilespmem:v33+s26+$0x0], $0xffff  }
0xc4: {  	v38 =	vor.u32 $0xE, v3;
	v1 =	vadd.f32 v34, v1  }
0xc5: {  	v39 =	vld.idx.msk [tilespmem:v35+s26+$0x0], $0xffff  }
0xc6: {  	v3 =	vor.u32 $0xF, v3;
	v1 =	vadd.f32 v36, v1  }
0xc7: {  	v40 =	vld.idx.msk [tilespmem:v37+s26+$0x0], $0xffff  }
0xc8: {  	v1 =	vadd.f32 v2, v1  }
0xc9: {  	v2 =	vld.idx.msk [tilespmem:v38+s26+$0x0], $0xffff  }
0xca: {  	v1 =	vadd.f32 v39, v1  }
0xcb: {  	v3 =	vld.idx.msk [tilespmem:v3+s26+$0x0], $0xffff  }
0xcc: {  	s4 =	simm.s32 $0x10400;
	v1 =	vadd.f32 v40, v1  }
0xcd: {  	v41 =	vld [tilespmem:s4+$0x0]  }
0xce: {  	s4 =	simm.s32 $0x10600;
	v1 =	vadd.f32 v2, v1  }
0xcf: {  	v2 =	vld [tilespmem:s4+$0x0]  }
0xd0: {  	v1 =	vadd.f32 v3, v1;
	_ =	sdelay $0x1  }
0xd1: {  	v1 =	vadd.f32 v41, v1;
	_ =	sdelay $0x1  }
0xd2: {  	v1 =	vadd.f32 v2, v1;
	_ =	sdelay $0x1  }
0xd3: {  	v1 =	vsub.f32 $0.0e+00, v1;
	_ =	sdelay $0x1  }
0xd4: {  	v1 =	vmul.f32 $1.442695020e+00, v1;
	_ =	sdelay $0x1  }
0xd5: {  	(erf) = vpow2.f32 v1;
	_ =	sdelay $0x8  }
0xd6: {  	v1 =	vpop (erf)  }
0xd7: {  	v1 =	vadd.f32 $1.000000000e+00, v1;
	_ =	sdelay $0x1  }
0xd8: {  	(erf) = vrcp.f32 v1;
	_ =	sdelay $0x1  }
0xd9: {  	s4 =	simm.s32 $0x10  }
0xda: {  	v1 =	vmov s4  }
0xdb: {  	v1 =	vshll.u32 v1, $0x4  }
0xdc: {  	v1 =	vor.u32 v0, v1  }
0xdd: {  	v2 =	vor.u32 $0x1, v1;
	_ =	sdelay $0x2  }
0xde: {  	s30 =	simm.s32 $0x12800;
	v3 =	vor.u32 $0x2, v1;
	v42 =	vpop (erf)  }
0xdf: {  	[tilespmem:s30+$0x0] =	vst v42  }
0xe0: {  	v43 =	vor.u32 $0x3, v1;
	v2 =	vld.idx.msk [tilespmem:v2+s26+$0x0], $0xffff  }
0xe1: {  	v44 =	vld.idx.msk [tilespmem:v1+s26+$0x0], $0xffff  }
0xe2: {  	v45 =	vor.u32 $0x4, v1  }
0xe3: {  	v3 =	vld.idx.msk [tilespmem:v3+s26+$0x0], $0xffff  }
0xe4: {  	v46 =	vor.u32 $0x5, v1  }
0xe5: {  	v4 =	vld.idx.msk [tilespmem:v43+s26+$0x0], $0xffff  }
0xe6: {  	v47 =	vor.u32 $0x6, v1;
	v2 =	vadd.f32 v2, v44  }
0xe7: {  	v48 =	vld.idx.msk [tilespmem:v45+s26+$0x0], $0xffff  }
0xe8: {  	v49 =	vor.u32 $0x7, v1;
	v2 =	vadd.f32 v3, v2  }
0xe9: {  	v3 =	vld.idx.msk [tilespmem:v46+s26+$0x0], $0xffff  }
0xea: {  	v50 =	vor.u32 $0x8, v1;
	v2 =	vadd.f32 v4, v2  }
0xeb: {  	v51 =	vld.idx.msk [tilespmem:v47+s26+$0x0], $0xffff  }
0xec: {  	v52 =	vor.u32 $0x9, v1;
	v2 =	vadd.f32 v48, v2  }
0xed: {  	v53 =	vld.idx.msk [tilespmem:v49+s26+$0x0], $0xffff  }
0xee: {  	v54 =	vor.u32 $0xA, v1;
	v2 =	vadd.f32 v3, v2  }
0xef: {  	v3 =	vld.idx.msk [tilespmem:v50+s26+$0x0], $0xffff  }
0xf0: {  	v55 =	vor.u32 $0xB, v1;
	v2 =	vadd.f32 v51, v2  }
0xf1: {  	v56 =	vld.idx.msk [tilespmem:v52+s26+$0x0], $0xffff  }
0xf2: {  	v57 =	vor.u32 $0xC, v1;
	v2 =	vadd.f32 v53, v2  }
0xf3: {  	v58 =	vld.idx.msk [tilespmem:v54+s26+$0x0], $0xffff  }
0xf4: {  	v59 =	vor.u32 $0xD, v1;
	v2 =	vadd.f32 v3, v2  }
0xf5: {  	v3 =	vld.idx.msk [tilespmem:v55+s26+$0x0], $0xffff  }
0xf6: {  	v60 =	vor.u32 $0xE, v1;
	v2 =	vadd.f32 v56, v2  }
0xf7: {  	v61 =	vld.idx.msk [tilespmem:v57+s26+$0x0], $0xffff  }
0xf8: {  	v1 =	vor.u32 $0xF, v1;
	v2 =	vadd.f32 v58, v2  }
0xf9: {  	v62 =	vld.idx.msk [tilespmem:v59+s26+$0x0], $0xffff  }
0xfa: {  	v2 =	vadd.f32 v3, v2  }
0xfb: {  	v3 =	vld.idx.msk [tilespmem:v60+s26+$0x0], $0xffff  }
0xfc: {  	v2 =	vadd.f32 v61, v2  }
0xfd: {  	v1 =	vld.idx.msk [tilespmem:v1+s26+$0x0], $0xffff  }
0xfe: {  	s31 =	simm.s32 $0x10410;
	v2 =	vadd.f32 v62, v2  }
0xff: {  	v63 =	vld [tilespmem:s31+$0x0]  }
0x100: {  	s0 =	simm.s32 $0x10610;
	v2 =	vadd.f32 v3, v2  }
0x101: {  	v3 =	vld [tilespmem:s0+$0x0]  }
0x102: {  	v1 =	vadd.f32 v1, v2;
	_ =	sdelay $0x1  }
0x103: {  	v1 =	vadd.f32 v63, v1;
	_ =	sdelay $0x1  }
0x104: {  	v1 =	vadd.f32 v3, v1;
	_ =	sdelay $0x1  }
0x105: {  	v1 =	vsub.f32 $0.0e+00, v1;
	_ =	sdelay $0x1  }
0x106: {  	v1 =	vmul.f32 $1.442695020e+00, v1;
	_ =	sdelay $0x1  }
0x107: {  	(erf) = vpow2.f32 v1;
	_ =	sdelay $0x8  }
0x108: {  	v1 =	vpop (erf)  }
0x109: {  	v1 =	vadd.f32 $1.000000000e+00, v1;
	_ =	sdelay $0x1  }
0x10a: {  	(erf) = vrcp.f32 v1;
	_ =	sdelay $0x1  }
0x10b: {  	s4 =	simm.s32 $0x20  }
0x10c: {  	v2 =	vmov s4  }
0x10d: {  	s4 =	simm.s32 $0x30;
	v1 =	vshll.u32 v2, $0x4  }
.LBB2_4:
0x10e: {  	p0 =	sne.s32 s4, $0x1F0;
	v1 =	vor.u32 v0, v1  }
0x10f: {  	v2 =	vor.u32 $0x1, v1;
	_ =	sdelay $0x2  }
0x110: {  	s30 =	sadd.s32 $0x10, s30;
	v3 =	vor.u32 $0x2, v1;
	v4 =	vpop (erf)  }
0x111: {  	[tilespmem:s30+$0x0] =	vst v4  }
0x112: {  	v4 =	vor.u32 $0x3, v1;
	v2 =	vld.idx.msk [tilespmem:v2+s26+$0x0], $0xffff  }
0x113: {  	v5 =	vld.idx.msk [tilespmem:v1+s26+$0x0], $0xffff  }
0x114: {  	v6 =	vor.u32 $0x4, v1  }
0x115: {  	v3 =	vld.idx.msk [tilespmem:v3+s26+$0x0], $0xffff  }
0x116: {  	v7 =	vor.u32 $0x5, v1  }
0x117: {  	v4 =	vld.idx.msk [tilespmem:v4+s26+$0x0], $0xffff  }
0x118: {  	v8 =	vor.u32 $0x6, v1  }
0x119: {  	v2 =	vadd.f32 v2, v5;
	v5 =	vld.idx.msk [tilespmem:v6+s26+$0x0], $0xffff  }
0x11a: {  	v6 =	vor.u32 $0x7, v1  }
0x11b: {  	v2 =	vadd.f32 v3, v2;
	v3 =	vld.idx.msk [tilespmem:v7+s26+$0x0], $0xffff  }
0x11c: {  	v7 =	vor.u32 $0x8, v1  }
0x11d: {  	v2 =	vadd.f32 v4, v2;
	v4 =	vld.idx.msk [tilespmem:v8+s26+$0x0], $0xffff  }
0x11e: {  	v8 =	vor.u32 $0x9, v1  }
0x11f: {  	v2 =	vadd.f32 v5, v2;
	v5 =	vld.idx.msk [tilespmem:v6+s26+$0x0], $0xffff  }
0x120: {  	v6 =	vor.u32 $0xA, v1  }
0x121: {  	v2 =	vadd.f32 v3, v2;
	v3 =	vld.idx.msk [tilespmem:v7+s26+$0x0], $0xffff  }
0x122: {  	v7 =	vor.u32 $0xB, v1  }
0x123: {  	v2 =	vadd.f32 v4, v2;
	v4 =	vld.idx.msk [tilespmem:v8+s26+$0x0], $0xffff  }
0x124: {  	v8 =	vor.u32 $0xC, v1  }
0x125: {  	v2 =	vadd.f32 v5, v2;
	v5 =	vld.idx.msk [tilespmem:v6+s26+$0x0], $0xffff  }
0x126: {  	v6 =	vor.u32 $0xD, v1  }
0x127: {  	v2 =	vadd.f32 v3, v2;
	v3 =	vld.idx.msk [tilespmem:v7+s26+$0x0], $0xffff  }
0x128: {  	v7 =	vor.u32 $0xE, v1  }
0x129: {  	v2 =	vadd.f32 v4, v2;
	v4 =	vld.idx.msk [tilespmem:v8+s26+$0x0], $0xffff  }
0x12a: {  	v1 =	vor.u32 $0xF, v1  }
0x12b: {  	v2 =	vadd.f32 v5, v2;
	v5 =	vld.idx.msk [tilespmem:v6+s26+$0x0], $0xffff;
	_ =	sdelay $0x1  }
0x12c: {  	v2 =	vadd.f32 v3, v2;
	v3 =	vld.idx.msk [tilespmem:v7+s26+$0x0], $0xffff;
	_ =	sdelay $0x1  }
0x12d: {  	v2 =	vadd.f32 v4, v2;
	v1 =	vld.idx.msk [tilespmem:v1+s26+$0x0], $0xffff;
	_ =	sdelay $0x1  }
0x12e: {  	s31 =	sadd.s32 $0x10, s31;
	v2 =	vadd.f32 v5, v2  }
0x12f: {  	v4 =	vld [tilespmem:s31+$0x0]  }
0x130: {  	s0 =	sadd.s32 $0x10, s0;
	v2 =	vadd.f32 v3, v2  }
0x131: {  	v3 =	vld [tilespmem:s0+$0x0]  }
0x132: {  	v1 =	vadd.f32 v1, v2;
	_ =	sdelay $0x1  }
0x133: {  	v1 =	vadd.f32 v4, v1;
	_ =	sdelay $0x1  }
0x134: {  	v1 =	vadd.f32 v3, v1;
	_ =	sdelay $0x1  }
0x135: {  	v1 =	vsub.f32 $0.0e+00, v1;
	_ =	sdelay $0x1  }
0x136: {  	v1 =	vmul.f32 $1.442695020e+00, v1;
	_ =	sdelay $0x1  }
0x137: {  	(erf) = vpow2.f32 v1;
	_ =	sdelay $0x8  }
0x138: {  	v1 =	vpop (erf)  }
0x139: {  	v1 =	vadd.f32 $1.000000000e+00, v1;
	_ =	sdelay $0x1  }
.Ltmp1:
0x13a: {  	(erf) = vrcp.f32 v1;
	(pc) =	sbr.rel @p0 .LBB2_4-.Ltmp1, $3  }
0x13b: {  	_ =	sdelay $0x1  }
0x13c: {  	v1 =	vmov s4  }
0x13d: {  	s4 =	sadd.s32 $0x10, s4;
	v1 =	vshll.u32 v1, $0x4  }
0x13e: {  	v1 =	vor.u32 v0, v1  }
0x13f: {  	v2 =	vor.u32 $0x1, v1;
	_ =	sdelay $0x2  }
0x140: {  	s4 =	sadd.s32 $0x10, s30;
	v3 =	vor.u32 $0x2, v1;
	v4 =	vpop (erf)  }
0x141: {  	[tilespmem:s4+$0x0] =	vst v4  }
0x142: {  	v47 =	vor.u32 $0x3, v1;
	v2 =	vld.idx.msk [tilespmem:v2+s26+$0x0], $0xffff  }
0x143: {  	v5 =	vld.idx.msk [tilespmem:v1+s26+$0x0], $0xffff  }
0x144: {  	v6 =	vor.u32 $0x4, v1  }
0x145: {  	v3 =	vld.idx.msk [tilespmem:v3+s26+$0x0], $0xffff  }
0x146: {  	v7 =	vor.u32 $0x5, v1  }
0x147: {  	v4 =	vld.idx.msk [tilespmem:v47+s26+$0x0], $0xffff  }
0x148: {  	v8 =	vor.u32 $0x6, v1;
	v2 =	vadd.f32 v2, v5  }
0x149: {  	v48 =	vld.idx.msk [tilespmem:v6+s26+$0x0], $0xffff  }
0x14a: {  	v49 =	vor.u32 $0x7, v1;
	v2 =	vadd.f32 v3, v2  }
0x14b: {  	v3 =	vld.idx.msk [tilespmem:v7+s26+$0x0], $0xffff  }
0x14c: {  	v50 =	vor.u32 $0x8, v1;
	v2 =	vadd.f32 v4, v2  }
0x14d: {  	v51 =	vld.idx.msk [tilespmem:v8+s26+$0x0], $0xffff  }
0x14e: {  	v52 =	vor.u32 $0x9, v1;
	v2 =	vadd.f32 v48, v2  }
0x14f: {  	v53 =	vld.idx.msk [tilespmem:v49+s26+$0x0], $0xffff  }
0x150: {  	v54 =	vor.u32 $0xA, v1;
	v2 =	vadd.f32 v3, v2  }
0x151: {  	v3 =	vld.idx.msk [tilespmem:v50+s26+$0x0], $0xffff  }
0x152: {  	v55 =	vor.u32 $0xB, v1;
	v2 =	vadd.f32 v51, v2  }
0x153: {  	v56 =	vld.idx.msk [tilespmem:v52+s26+$0x0], $0xffff  }
0x154: {  	v57 =	vor.u32 $0xC, v1;
	v2 =	vadd.f32 v53, v2  }
0x155: {  	v58 =	vld.idx.msk [tilespmem:v54+s26+$0x0], $0xffff  }
0x156: {  	v59 =	vor.u32 $0xD, v1;
	v2 =	vadd.f32 v3, v2  }
0x157: {  	v3 =	vld.idx.msk [tilespmem:v55+s26+$0x0], $0xffff  }
0x158: {  	v60 =	vor.u32 $0xE, v1;
	v2 =	vadd.f32 v56, v2  }
0x159: {  	v61 =	vld.idx.msk [tilespmem:v57+s26+$0x0], $0xffff  }
0x15a: {  	v1 =	vor.u32 $0xF, v1;
	v2 =	vadd.f32 v58, v2  }
0x15b: {  	v62 =	vld.idx.msk [tilespmem:v59+s26+$0x0], $0xffff  }
0x15c: {  	v2 =	vadd.f32 v3, v2  }
0x15d: {  	v3 =	vld.idx.msk [tilespmem:v60+s26+$0x0], $0xffff  }
0x15e: {  	v2 =	vadd.f32 v61, v2  }
0x15f: {  	v1 =	vld.idx.msk [tilespmem:v1+s26+$0x0], $0xffff  }
0x160: {  	s31 =	sadd.s32 $0x10, s31;
	v2 =	vadd.f32 v62, v2  }
0x161: {  	v63 =	vld [tilespmem:s31+$0x0]  }
0x162: {  	s0 =	sadd.s32 $0x10, s0;
	v2 =	vadd.f32 v3, v2  }
0x163: {  	v3 =	vld [tilespmem:s0+$0x0]  }
0x164: {  	v1 =	vadd.f32 v1, v2;
	_ =	sdelay $0x1  }
0x165: {  	v1 =	vadd.f32 v63, v1;
	_ =	sdelay $0x1  }
0x166: {  	v1 =	vadd.f32 v3, v1;
	_ =	sdelay $0x1  }
0x167: {  	v1 =	vsub.f32 $0.0e+00, v1;
	_ =	sdelay $0x1  }
0x168: {  	v1 =	vmul.f32 $1.442695020e+00, v1;
	_ =	sdelay $0x1  }
0x169: {  	(erf) = vpow2.f32 v1;
	_ =	sdelay $0x8  }
0x16a: {  	v1 =	vpop (erf)  }
0x16b: {  	v1 =	vadd.f32 $1.000000000e+00, v1;
	_ =	sdelay $0x1  }
0x16c: {  	(erf) = vrcp.f32 v1;
	_ =	sdelay $0x7  }
0x16d: {  	s29 =	sadd.s32 $0x1, s29  }
0x16e: {  	p0 =	sne.s32 s29, s16;
	s31 =	sadd.s32 $0x10, s4;
	v1 =	vpop (erf)  }
.Ltmp2:
0x16f: {  	[tilespmem:s31+$0x0] =	vst v1;
	(pc) =	sbr.rel @p0 .LBB2_1-.Ltmp2, $4  }
0x170: {  	[hbm4b:s15+s3] =	stream.linear.scatter [tilespmem:s28], [sflag:$0x2], $0x200, $0x38;
	[tilespmem:$0x12A00] =	vst v63  }
0x171: {  	_ =	swait.ge [sflag:s17], $0x200  }
0x172: {  	[sflag:s17] =	ssyncset.done $0x0  }
0x173: {  	[sflag:s17] =	ssyncadd.s32 $0xFFFFFE00  }
0x174: {  	_ =	sfence.sel $0x180000  }
0x175: {  	[bflag:$0x0] =	sbarrier.arrive $0xFFFF  }
0x176: {  	_ =	strace $0x90000047  }
0x177: {  	s0 =	stileid.u32;
	[bflag:$0x2] =	sbarrier.arrive $0xFFFF  }
0x178: {  	p0 =	sne.s32 s0, $0x0;
	s0 =	rddreg [dreg:$0x6]  }
0x179: {  	s0 =	sadd.s32 @!p0 $0x100000, s0  }
0x17a: {  	[sflag:s0] =	ssyncadd.tile.s32 @!p0 $0x1;
	_ =	shalt  }
.Lfunc_end2:
_tile_overlayer_lowered:
.L_overlay_start_2:
0x17b: {  	(tag) =	ssettag $0x2  }
0x17c: {  	s0 =	rddreg [dreg:$0x0];
	s2 =	stileid.u32  }
0x17d: {  	s1 =	rddreg [dreg:$0x1];
	p0 =	sne.s32 s2, $0x0  }
0x17e: {  	s3 =	rddreg [dreg:$0x2];
	[bflag:$0x3] =	sbarrier.arrive $0xFFFF;
	s2 =	simm.s32 @!p0 $0x1C02  }
0x17f: {  	[timem:s3], [sflag:s2] =	dma.local @!p0 [hbm:s0], s1  }
0x180: {  	s0 =	simm.s32 @!p0 $0x2  }
0x181: {  	_ =	swait.ge @!p0 [sflag:s0], s1  }
0x182: {  	s1 =	ssub.s32 @!p0 $0x0, s1;
	[sflag:s0] =	ssyncset.done @!p0 $0x0  }
0x183: {  	[sflag:s0] =	ssyncadd.s32 @!p0 s1  }
0x184: {  	[bflag:$0x3] =	sbarrier.arrive $0xFFFF  }
0x185: {  	_ =	shalt  }

</sc_bundles>
